<compile_context>
chip_gen: v7x
topology: tpu7x:2x2x1
jax: 0.10.2.dev20260603
libtpu: 0.0.44.dev20260713+nightly
codegen_flags: <defaults>
</compile_context>

<pallas_src>
import functools

import jax
import jax.numpy as jnp
from jax import lax
from jax.experimental import pallas as pl
from jax.experimental.pallas import tpu as pltpu
from jax.experimental.pallas import tpu_sc as plsc

N_NODES = 10000
N_EDGES = 320000
NB = 79
EPT = NB * 128
E_PAD = EPT * 32
N_PAD = 10112
RPT = N_PAD // 16
ROW_BLK = 1000


def _segsum_body(nt, srcp_hbm, dstp_hbm, zeros_hbm, *rest):
    tables = rest[:nt]
    outs = rest[nt:2 * nt]
    src_v, dst_v, rows_v, acc_sh, sem = rest[2 * nt:]
    cid = lax.axis_index("c")
    sid = lax.axis_index("s")
    wid = cid * 16 + sid
    pltpu.sync_copy(srcp_hbm.at[wid], src_v)
    pltpu.sync_copy(dstp_hbm.at[wid], dst_v)
    for t in range(nt):
        pltpu.sync_copy(zeros_hbm.at[pl.ds(sid * RPT, RPT)],
                        acc_sh.at[pl.ds(sid * RPT, RPT)])
        plsc.subcore_barrier()

        def body(j, carry):
            pltpu.async_copy(tables[t].at[src_v.at[j]], rows_v, sem).wait()
            pltpu.sync_copy(rows_v, acc_sh.at[dst_v.at[j]], add=True)
            return carry

        lax.fori_loop(0, NB, body, 0)
        plsc.subcore_barrier()
        pltpu.sync_copy(acc_sh.at[pl.ds(sid * RPT, RPT)],
                        outs[t].at[cid, pl.ds(sid * RPT, RPT)])


def _segsum_sc(tables, srcp, dstp, zeros):
    nt = len(tables)
    mesh = plsc.VectorSubcoreMesh(core_axis_name="c", subcore_axis_name="s")
    out_type = tuple(jax.ShapeDtypeStruct((2, N_PAD, 128), jnp.float32)
                     for _ in range(nt))
    k = functools.partial(
        pl.kernel,
        out_type=out_type,
        mesh=mesh,
        scratch_types=[
            pltpu.VMEM((NB, 128), jnp.int32),
            pltpu.VMEM((NB, 128), jnp.int32),
            pltpu.VMEM((128, 128), jnp.float32),
            pltpu.VMEM_SHARED((N_PAD, 128), jnp.float32),
            pltpu.SemaphoreType.DMA,
        ],
    )(functools.partial(_segsum_body, nt))
    return k(srcp, dstp, zeros, *tables)


def _tc1_body(a_ref, W_ref, b_ref, out_ref):
    s = a_ref[0] + a_ref[1]
    out_ref[0] = jnp.maximum(
        jnp.dot(s, W_ref[...], preferred_element_type=jnp.float32)
        + b_ref[...], 0.0)


def _tc1(agg1, W1, b1):
    return pl.pallas_call(
        _tc1_body,
        grid=(N_NODES // ROW_BLK, 4),
        in_specs=[
            pl.BlockSpec((2, ROW_BLK, 128), lambda i, j: (0, i, 0)),
            pl.BlockSpec((128, 128), lambda i, j: (0, j)),
            pl.BlockSpec((1, 128), lambda i, j: (0, j)),
        ],
        out_specs=pl.BlockSpec((1, ROW_BLK, 128), lambda i, j: (j, i, 0)),
        out_shape=jax.ShapeDtypeStruct((4, N_NODES, 128), jnp.float32),
    )(agg1, W1, b1.reshape(1, 512))


def _tc2_body(p0_ref, p1_ref, p2_ref, p3_ref, W2_ref, b2_ref, Wf0_ref,
              bf0_ref, Wf1_ref, bf1_ref, Wf2_ref, bf2_ref, Wout_ref,
              bout_ref, out_ref):
    acc = jnp.broadcast_to(b2_ref[...], (p0_ref.shape[1], 512))
    for c, p_ref in enumerate((p0_ref, p1_ref, p2_ref, p3_ref)):
        a = p_ref[0] + p_ref[1]
        acc = acc + jnp.dot(a, W2_ref[pl.ds(c * 128, 128), :],
                            preferred_element_type=jnp.float32)
    h = jnp.maximum(acc, 0.0)
    h = jnp.maximum(jnp.dot(h, Wf0_ref[...], preferred_element_type=jnp.float32) + bf0_ref[...], 0.0)
    h = jnp.maximum(jnp.dot(h, Wf1_ref[...], preferred_element_type=jnp.float32) + bf1_ref[...], 0.0)
    h = jnp.maximum(jnp.dot(h, Wf2_ref[...], preferred_element_type=jnp.float32) + bf2_ref[...], 0.0)
    out_ref[...] = jnp.dot(h, Wout_ref[...], preferred_element_type=jnp.float32) + bout_ref[...]


def _tc2(parts, W2, b2, Wf0, bf0, Wf1, bf1, Wf2, bf2, Wout, bout):
    full = lambda shape: pl.BlockSpec(shape, lambda i: tuple(0 for _ in shape))
    part_spec = pl.BlockSpec((2, ROW_BLK, 128), lambda i: (0, i, 0))
    return pl.pallas_call(
        _tc2_body,
        grid=(N_NODES // ROW_BLK,),
        in_specs=[part_spec, part_spec, part_spec, part_spec,
                  full((512, 512)), full((1, 512)),
                  full((512, 512)), full((1, 512)),
                  full((512, 512)), full((1, 512)),
                  full((512, 512)), full((1, 512)),
                  full((512, 2)), full((1, 2))],
        out_specs=pl.BlockSpec((ROW_BLK, 2), lambda i: (i, 0)),
        out_shape=jax.ShapeDtypeStruct((N_NODES, 2), jnp.float32),
    )(*parts, W2, b2.reshape(1, 512), Wf0, bf0.reshape(1, 512),
      Wf1, bf1.reshape(1, 512), Wf2, bf2.reshape(1, 512),
      Wout, bout.reshape(1, 2))


def kernel(x, edge_index, W1, b1, W2, b2, Wf0, bf0, Wf1, bf1, Wf2, bf2, Wout, bout):
    ei = edge_index.astype(jnp.int32)
    ppt = EPT - N_EDGES // 32
    psrc = jnp.zeros((32, ppt), jnp.int32)
    pdst = jnp.broadcast_to(
        N_NODES + jnp.arange(ppt, dtype=jnp.int32) % (N_PAD - N_NODES),
        (32, ppt))
    srcp = jnp.concatenate([ei[0].reshape(32, -1), psrc], axis=1)
    srcp = srcp.reshape(32, NB, 128)
    dstp = jnp.concatenate([ei[1].reshape(32, -1), pdst], axis=1)
    dstp = dstp.reshape(32, NB, 128)
    zeros = jnp.zeros((N_PAD, 128), jnp.float32)

    (agg1,) = _segsum_sc([x], srcp, dstp, zeros)
    h1 = _tc1(agg1, W1, b1)
    parts = _segsum_sc([h1[0], h1[1], h1[2], h1[3]], srcp, dstp, zeros)
    return _tc2(parts, W2, b2, Wf0, bf0, Wf1, bf1, Wf2, bf2, Wout, bout)

# --- scband reference (transcript-rebuilt; emitter-appended) ---
"""Pipeline reference for scband-gcn-4398046511153 (READ-ONLY COPY).

The authoritative reference and input builder live on the scoring server;
editing this copy changes nothing except your own understanding.
"""

import jax, jax.numpy as jnp
import numpy as np

N_NODES = 10000
N_EDGES = 320000
D_IN = 128
D_CONV = 512
D_EMB = 512
D_RO = 512
D_OUT = 2

def setup_inputs(seed: int = 0) -> dict:
    key = jax.random.key(seed)
    ks = jax.random.split(key, 16)
    x = jax.random.normal(ks[0], (N_NODES, D_IN), dtype=jnp.float32)
    edge_index = jax.random.randint(ks[1], (2, N_EDGES), 0, N_NODES, dtype=jnp.int64)
    s = 0.02
    W1 = jax.random.normal(ks[2], (D_IN, D_CONV), dtype=jnp.float32) * s
    b1 = jnp.zeros((D_CONV,), dtype=jnp.float32)
    W2 = jax.random.normal(ks[3], (D_CONV, D_EMB), dtype=jnp.float32) * s
    b2 = jnp.zeros((D_EMB,), dtype=jnp.float32)
    Wf0 = jax.random.normal(ks[4], (D_EMB, D_RO), dtype=jnp.float32) * s
    bf0 = jnp.zeros((D_RO,), dtype=jnp.float32)
    Wf1 = jax.random.normal(ks[5], (D_RO, D_RO), dtype=jnp.float32) * s
    bf1 = jnp.zeros((D_RO,), dtype=jnp.float32)
    Wf2 = jax.random.normal(ks[6], (D_RO, D_RO), dtype=jnp.float32) * s
    bf2 = jnp.zeros((D_RO,), dtype=jnp.float32)
    Wout = jax.random.normal(ks[7], (D_RO, D_OUT), dtype=jnp.float32) * s
    bout = jnp.zeros((D_OUT,), dtype=jnp.float32)
    return {"x": x, "edge_index": edge_index, "W1": W1, "b1": b1, "W2": W2, "b2": b2,
            "Wf0": Wf0, "bf0": bf0, "Wf1": Wf1, "bf1": bf1, "Wf2": Wf2, "bf2": bf2,
            "Wout": Wout, "bout": bout}

def reference(x, edge_index, W1, b1, W2, b2, Wf0, bf0, Wf1, bf1, Wf2, bf2, Wout, bout):
    # GCNLayer 1: message = src['h'] (weights=False), reduce = sum over mailbox, then Linear
    src = edge_index[0]
    dst = edge_index[1]
    n = x.shape[0]
    h = jax.ops.segment_sum(jnp.take(x, src, axis=0), dst, num_segments=n)
    h = h @ W1 + b1
    h = jax.nn.relu(h)
    # GCNLayer 2
    h = jax.ops.segment_sum(jnp.take(h, src, axis=0), dst, num_segments=n)
    h = h @ W2 + b2
    h = jax.nn.relu(h)
    # FullyConnectedModel readout: input layer + 2 hidden layers (ReLU) + output layer
    h = jax.nn.relu(h @ Wf0 + bf0)
    h = jax.nn.relu(h @ Wf1 + bf1)
    h = jax.nn.relu(h @ Wf2 + bf2)
    out = h @ Wout + bout
    return out

if __name__ == "__main__":
    import jax
    _d = setup_inputs()
    print(jax.jit(kernel)(*tuple(_d.values())))

</pallas_src>

<mosaic_0001>
#map = affine_map<(d0, d1) -> (0, 0, 0)>
#map1 = affine_map<(d0, d1) -> (0, 0)>
module attributes {stable_mosaic.version = 14 : i64} {
  func.func @_segsum_body(%arg0: i32, %arg1: i32, %arg2: memref<32x79x128xi32, #tpu.memory_space<hbm>>, %arg3: memref<32x79x128xi32, #tpu.memory_space<hbm>>, %arg4: memref<10112x128xf32, #tpu.memory_space<hbm>>, %arg5: memref<10000x128xf32, #tpu.memory_space<hbm>>, %arg6: memref<10000x128xf32, #tpu.memory_space<hbm>>, %arg7: memref<10000x128xf32, #tpu.memory_space<hbm>>, %arg8: memref<10000x128xf32, #tpu.memory_space<hbm>>, %arg9: memref<2x10112x128xf32, #tpu.memory_space<hbm>>, %arg10: memref<2x10112x128xf32, #tpu.memory_space<hbm>>, %arg11: memref<2x10112x128xf32, #tpu.memory_space<hbm>>, %arg12: memref<2x10112x128xf32, #tpu.memory_space<hbm>>, %arg13: memref<79x128xi32, #tpu.memory_space<vmem>>, %arg14: memref<79x128xi32, #tpu.memory_space<vmem>>, %arg15: memref<128x128xf32, #tpu.memory_space<vmem>>, %arg16: memref<10112x128xf32, #tpu.memory_space<vmem_shared>>, %arg17: memref<!tpu.dma_semaphore, #tpu.memory_space<semaphore_mem>>) attributes {dimension_semantics = [#tpu.dimension_semantics<core_parallel>, #tpu.dimension_semantics<subcore_parallel>], iteration_bounds = array<i64: 2, 16>, scalar_prefetch = 0 : i64, scratch_operands = 5 : i64, tpu.core_type = #tpu.core_type<sc_vector_subcore>, window_params = [{transform_indices = #map}, {transform_indices = #map}, {transform_indices = #map1}, {transform_indices = #map1}, {transform_indices = #map1}, {transform_indices = #map1}, {transform_indices = #map1}, {transform_indices = #map}, {transform_indices = #map}, {transform_indices = #map}, {transform_indices = #map}]} {
    %mul3A = arith.constant 16 : i32
    %mul3A_0 = arith.muli %arg0, %mul3A : i32
    %add3A = arith.addi %mul3A_0, %arg1 : i32
    "tpu.region"() ({
      %run_scoped3A = tpu.sem_alloc : memref<!tpu.dma_semaphore, #tpu.memory_space<semaphore_mem>>
      %dma_start3A = arith.constant 0 : i32
      %dma_start3A_63 = arith.constant 0 : i32
      %dma_start3A_64 = tpu.memref_slice %arg2[%add3A, %dma_start3A, %dma_start3A_63] : memref<32x79x128xi32, #tpu.memory_space<hbm>> -> memref<1x79x128xi32, #tpu.memory_space<hbm>>
      %dma_start3A_65 = tpu.memref_squeeze %dma_start3A_64 : memref<1x79x128xi32, #tpu.memory_space<hbm>> -> memref<79x128xi32, #tpu.memory_space<hbm>>
      %dma_start3A_66 = arith.constant 0 : i32
      %dma_start3A_67 = arith.constant 0 : i32
      %dma_start3A_68 = tpu.memref_slice %arg2[%add3A, %dma_start3A_66, %dma_start3A_67] : memref<32x79x128xi32, #tpu.memory_space<hbm>> -> memref<1x79x128xi32, #tpu.memory_space<hbm>>
      %dma_start3A_69 = tpu.memref_squeeze %dma_start3A_68 : memref<1x79x128xi32, #tpu.memory_space<hbm>> -> memref<79x128xi32, #tpu.memory_space<hbm>>
      tpu.enqueue_dma source(%dma_start3A_69 : memref<79x128xi32, #tpu.memory_space<hbm>>) target(%arg13 : memref<79x128xi32, #tpu.memory_space<vmem>>) target_semaphore(%run_scoped3A : memref<!tpu.dma_semaphore, #tpu.memory_space<semaphore_mem>>)
      %dma_wait3A = arith.constant 0 : i32
      %dma_wait3A_70 = arith.constant 0 : i32
      %dma_wait3A_71 = tpu.memref_slice %arg2[%add3A, %dma_wait3A, %dma_wait3A_70] : memref<32x79x128xi32, #tpu.memory_space<hbm>> -> memref<1x79x128xi32, #tpu.memory_space<hbm>>
      %dma_wait3A_72 = tpu.memref_squeeze %dma_wait3A_71 : memref<1x79x128xi32, #tpu.memory_space<hbm>> -> memref<79x128xi32, #tpu.memory_space<hbm>>
      %dma_wait3A_73 = arith.constant 0 : i32
      %dma_wait3A_74 = arith.constant 0 : i32
      %dma_wait3A_75 = tpu.memref_slice %arg2[%add3A, %dma_wait3A_73, %dma_wait3A_74] : memref<32x79x128xi32, #tpu.memory_space<hbm>> -> memref<1x79x128xi32, #tpu.memory_space<hbm>>
      %dma_wait3A_76 = tpu.memref_squeeze %dma_wait3A_75 : memref<1x79x128xi32, #tpu.memory_space<hbm>> -> memref<79x128xi32, #tpu.memory_space<hbm>>
      tpu.wait_dma2 semaphore(%run_scoped3A : memref<!tpu.dma_semaphore, #tpu.memory_space<semaphore_mem>>) src(%dma_wait3A_76 : memref<79x128xi32, #tpu.memory_space<hbm>>) dst(%arg13 : memref<79x128xi32, #tpu.memory_space<vmem>>)
      tpu.yield
    }) : () -> ()
    "tpu.region"() ({
      %run_scoped3A = tpu.sem_alloc : memref<!tpu.dma_semaphore, #tpu.memory_space<semaphore_mem>>
      %dma_start3A = arith.constant 0 : i32
      %dma_start3A_63 = arith.constant 0 : i32
      %dma_start3A_64 = tpu.memref_slice %arg3[%add3A, %dma_start3A, %dma_start3A_63] : memref<32x79x128xi32, #tpu.memory_space<hbm>> -> memref<1x79x128xi32, #tpu.memory_space<hbm>>
      %dma_start3A_65 = tpu.memref_squeeze %dma_start3A_64 : memref<1x79x128xi32, #tpu.memory_space<hbm>> -> memref<79x128xi32, #tpu.memory_space<hbm>>
      %dma_start3A_66 = arith.constant 0 : i32
      %dma_start3A_67 = arith.constant 0 : i32
      %dma_start3A_68 = tpu.memref_slice %arg3[%add3A, %dma_start3A_66, %dma_start3A_67] : memref<32x79x128xi32, #tpu.memory_space<hbm>> -> memref<1x79x128xi32, #tpu.memory_space<hbm>>
      %dma_start3A_69 = tpu.memref_squeeze %dma_start3A_68 : memref<1x79x128xi32, #tpu.memory_space<hbm>> -> memref<79x128xi32, #tpu.memory_space<hbm>>
      tpu.enqueue_dma source(%dma_start3A_69 : memref<79x128xi32, #tpu.memory_space<hbm>>) target(%arg14 : memref<79x128xi32, #tpu.memory_space<vmem>>) target_semaphore(%run_scoped3A : memref<!tpu.dma_semaphore, #tpu.memory_space<semaphore_mem>>)
      %dma_wait3A = arith.constant 0 : i32
      %dma_wait3A_70 = arith.constant 0 : i32
      %dma_wait3A_71 = tpu.memref_slice %arg3[%add3A, %dma_wait3A, %dma_wait3A_70] : memref<32x79x128xi32, #tpu.memory_space<hbm>> -> memref<1x79x128xi32, #tpu.memory_space<hbm>>
      %dma_wait3A_72 = tpu.memref_squeeze %dma_wait3A_71 : memref<1x79x128xi32, #tpu.memory_space<hbm>> -> memref<79x128xi32, #tpu.memory_space<hbm>>
      %dma_wait3A_73 = arith.constant 0 : i32
      %dma_wait3A_74 = arith.constant 0 : i32
      %dma_wait3A_75 = tpu.memref_slice %arg3[%add3A, %dma_wait3A_73, %dma_wait3A_74] : memref<32x79x128xi32, #tpu.memory_space<hbm>> -> memref<1x79x128xi32, #tpu.memory_space<hbm>>
      %dma_wait3A_76 = tpu.memref_squeeze %dma_wait3A_75 : memref<1x79x128xi32, #tpu.memory_space<hbm>> -> memref<79x128xi32, #tpu.memory_space<hbm>>
      tpu.wait_dma2 semaphore(%run_scoped3A : memref<!tpu.dma_semaphore, #tpu.memory_space<semaphore_mem>>) src(%dma_wait3A_76 : memref<79x128xi32, #tpu.memory_space<hbm>>) dst(%arg14 : memref<79x128xi32, #tpu.memory_space<vmem>>)
      tpu.yield
    }) : () -> ()
    %mul3A_1 = arith.constant 632 : i32
    %mul3A_2 = arith.muli %arg1, %mul3A_1 : i32
    %mul3A_3 = arith.constant 632 : i32
    %mul3A_4 = arith.muli %arg1, %mul3A_3 : i32
    "tpu.region"() ({
      %run_scoped3A = tpu.sem_alloc : memref<!tpu.dma_semaphore, #tpu.memory_space<semaphore_mem>>
      %dma_start3A = arith.constant 0 : i32
      %dma_start3A_63 = tpu.memref_slice %arg16[%mul3A_4, %dma_start3A] : memref<10112x128xf32, #tpu.memory_space<vmem_shared>> -> memref<632x128xf32, #tpu.memory_space<vmem_shared>>
      %dma_start3A_64 = arith.constant 0 : i32
      %dma_start3A_65 = tpu.memref_slice %arg4[%mul3A_2, %dma_start3A_64] : memref<10112x128xf32, #tpu.memory_space<hbm>> -> memref<632x128xf32, #tpu.memory_space<hbm>>
      tpu.enqueue_dma source(%dma_start3A_65 : memref<632x128xf32, #tpu.memory_space<hbm>>) target(%dma_start3A_63 : memref<632x128xf32, #tpu.memory_space<vmem_shared>>) target_semaphore(%run_scoped3A : memref<!tpu.dma_semaphore, #tpu.memory_space<semaphore_mem>>)
      %dma_wait3A = arith.constant 0 : i32
      %dma_wait3A_66 = tpu.memref_slice %arg16[%mul3A_4, %dma_wait3A] : memref<10112x128xf32, #tpu.memory_space<vmem_shared>> -> memref<632x128xf32, #tpu.memory_space<vmem_shared>>
      %dma_wait3A_67 = arith.constant 0 : i32
      %dma_wait3A_68 = tpu.memref_slice %arg4[%mul3A_2, %dma_wait3A_67] : memref<10112x128xf32, #tpu.memory_space<hbm>> -> memref<632x128xf32, #tpu.memory_space<hbm>>
      tpu.wait_dma2 semaphore(%run_scoped3A : memref<!tpu.dma_semaphore, #tpu.memory_space<semaphore_mem>>) src(%dma_wait3A_68 : memref<632x128xf32, #tpu.memory_space<hbm>>) dst(%dma_wait3A_66 : memref<632x128xf32, #tpu.memory_space<vmem_shared>>)
      tpu.yield
    }) : () -> ()
    %barrier3A = arith.constant 0 : index
    tpu.barrier barrier_id(%barrier3A)
    %scan3A = arith.constant 0 : i32
    %scan3A_5 = arith.constant 0 : i32
    %scan3A_6 = arith.constant 79 : i32
    %scan3A_7 = arith.addi %scan3A_5, %scan3A_6 : i32
    %scan3A_8 = arith.constant 1 : i32
    scf.for %scan3A_63 = %scan3A_5 to %scan3A_7 step %scan3A_8  : i32 {
      %dma_start3A = arith.constant 0 : i32
      %dma_start3A_64 = tpu.memref_slice %arg13[%scan3A_63, %dma_start3A] : memref<79x128xi32, #tpu.memory_space<vmem>> -> memref<1x128xi32, #tpu.memory_space<vmem>>
      %dma_start3A_65 = tpu.memref_squeeze %dma_start3A_64 : memref<1x128xi32, #tpu.memory_space<vmem>> -> memref<128xi32, #tpu.memory_space<vmem>>
      %dma_start3A_66 = arith.constant 0 : i32
      %dma_start3A_67 = arith.constant 0 : i32
      %dma_start3A_68 = tpu.memref_slice %arg5[%dma_start3A_66, %dma_start3A_67] : memref<10000x128xf32, #tpu.memory_space<hbm>> -> memref<10000x128xf32, #tpu.memory_space<hbm>>
      tpu.enqueue_indirect_dma source(%dma_start3A_68 : memref<10000x128xf32, #tpu.memory_space<hbm>>) target(%arg15 : memref<128x128xf32, #tpu.memory_space<vmem>>) offsets(%dma_start3A_65 : memref<128xi32, #tpu.memory_space<vmem>>) semaphore(%arg17 : memref<!tpu.dma_semaphore, #tpu.memory_space<semaphore_mem>>)
      %dma_wait3A = arith.constant 0 : i32
      %dma_wait3A_69 = tpu.memref_slice %arg13[%scan3A_63, %dma_wait3A] : memref<79x128xi32, #tpu.memory_space<vmem>> -> memref<1x128xi32, #tpu.memory_space<vmem>>
      %dma_wait3A_70 = tpu.memref_squeeze %dma_wait3A_69 : memref<1x128xi32, #tpu.memory_space<vmem>> -> memref<128xi32, #tpu.memory_space<vmem>>
      %dma_wait3A_71 = arith.constant 0 : i32
      %dma_wait3A_72 = arith.constant 0 : i32
      %dma_wait3A_73 = tpu.memref_slice %arg5[%dma_wait3A_71, %dma_wait3A_72] : memref<10000x128xf32, #tpu.memory_space<hbm>> -> memref<10000x128xf32, #tpu.memory_space<hbm>>
      tpu.wait_indirect_dma semaphore(%arg17 : memref<!tpu.dma_semaphore, #tpu.memory_space<semaphore_mem>>) src(%dma_wait3A_73 : memref<10000x128xf32, #tpu.memory_space<hbm>>) dst(%arg15 : memref<128x128xf32, #tpu.memory_space<vmem>>)
      "tpu.region"() ({
        %run_scoped3A = tpu.sem_alloc : memref<!tpu.dma_semaphore, #tpu.memory_space<semaphore_mem>>
        %dma_start3A_74 = arith.constant 0 : i32
        %dma_start3A_75 = tpu.memref_slice %arg14[%scan3A_63, %dma_start3A_74] : memref<79x128xi32, #tpu.memory_space<vmem>> -> memref<1x128xi32, #tpu.memory_space<vmem>>
        %dma_start3A_76 = tpu.memref_squeeze %dma_start3A_75 : memref<1x128xi32, #tpu.memory_space<vmem>> -> memref<128xi32, #tpu.memory_space<vmem>>
        %dma_start3A_77 = arith.constant 0 : i32
        %dma_start3A_78 = arith.constant 0 : i32
        %dma_start3A_79 = tpu.memref_slice %arg16[%dma_start3A_77, %dma_start3A_78] : memref<10112x128xf32, #tpu.memory_space<vmem_shared>> -> memref<10112x128xf32, #tpu.memory_space<vmem_shared>>
        tpu.enqueue_indirect_dma source(%arg15 : memref<128x128xf32, #tpu.memory_space<vmem>>) target(%dma_start3A_79 : memref<10112x128xf32, #tpu.memory_space<vmem_shared>>) offsets(%dma_start3A_76 : memref<128xi32, #tpu.memory_space<vmem>>) semaphore(%run_scoped3A : memref<!tpu.dma_semaphore, #tpu.memory_space<semaphore_mem>>) {add = true}
        %dma_wait3A_80 = arith.constant 0 : i32
        %dma_wait3A_81 = tpu.memref_slice %arg14[%scan3A_63, %dma_wait3A_80] : memref<79x128xi32, #tpu.memory_space<vmem>> -> memref<1x128xi32, #tpu.memory_space<vmem>>
        %dma_wait3A_82 = tpu.memref_squeeze %dma_wait3A_81 : memref<1x128xi32, #tpu.memory_space<vmem>> -> memref<128xi32, #tpu.memory_space<vmem>>
        %dma_wait3A_83 = arith.constant 0 : i32
        %dma_wait3A_84 = arith.constant 0 : i32
        %dma_wait3A_85 = tpu.memref_slice %arg16[%dma_wait3A_83, %dma_wait3A_84] : memref<10112x128xf32, #tpu.memory_space<vmem_shared>> -> memref<10112x128xf32, #tpu.memory_space<vmem_shared>>
        tpu.wait_indirect_dma semaphore(%run_scoped3A : memref<!tpu.dma_semaphore, #tpu.memory_space<semaphore_mem>>) src(%arg15 : memref<128x128xf32, #tpu.memory_space<vmem>>) dst(%dma_wait3A_85 : memref<10112x128xf32, #tpu.memory_space<vmem_shared>>)
        tpu.yield
      }) : () -> ()
    }
    %scan3A_9 = arith.constant 79 : i32
    %barrier3A_10 = arith.constant 0 : index
    tpu.barrier barrier_id(%barrier3A_10)
    %mul3A_11 = arith.constant 632 : i32
    %mul3A_12 = arith.muli %arg1, %mul3A_11 : i32
    %mul3A_13 = arith.constant 632 : i32
    %mul3A_14 = arith.muli %arg1, %mul3A_13 : i32
    "tpu.region"() ({
      %run_scoped3A = tpu.sem_alloc : memref<!tpu.dma_semaphore, #tpu.memory_space<semaphore_mem>>
      %dma_start3A = arith.constant 0 : i32
      %dma_start3A_63 = tpu.memref_slice %arg9[%arg0, %mul3A_14, %dma_start3A] : memref<2x10112x128xf32, #tpu.memory_space<hbm>> -> memref<1x632x128xf32, #tpu.memory_space<hbm>>
      %dma_start3A_64 = tpu.memref_squeeze %dma_start3A_63 : memref<1x632x128xf32, #tpu.memory_space<hbm>> -> memref<632x128xf32, #tpu.memory_space<hbm>>
      %dma_start3A_65 = arith.constant 0 : i32
      %dma_start3A_66 = tpu.memref_slice %arg16[%mul3A_12, %dma_start3A_65] : memref<10112x128xf32, #tpu.memory_space<vmem_shared>> -> memref<632x128xf32, #tpu.memory_space<vmem_shared>>
      tpu.enqueue_dma source(%dma_start3A_66 : memref<632x128xf32, #tpu.memory_space<vmem_shared>>) target(%dma_start3A_64 : memref<632x128xf32, #tpu.memory_space<hbm>>) target_semaphore(%run_scoped3A : memref<!tpu.dma_semaphore, #tpu.memory_space<semaphore_mem>>)
      %dma_wait3A = arith.constant 0 : i32
      %dma_wait3A_67 = tpu.memref_slice %arg9[%arg0, %mul3A_14, %dma_wait3A] : memref<2x10112x128xf32, #tpu.memory_space<hbm>> -> memref<1x632x128xf32, #tpu.memory_space<hbm>>
      %dma_wait3A_68 = tpu.memref_squeeze %dma_wait3A_67 : memref<1x632x128xf32, #tpu.memory_space<hbm>> -> memref<632x128xf32, #tpu.memory_space<hbm>>
      %dma_wait3A_69 = arith.constant 0 : i32
      %dma_wait3A_70 = tpu.memref_slice %arg16[%mul3A_12, %dma_wait3A_69] : memref<10112x128xf32, #tpu.memory_space<vmem_shared>> -> memref<632x128xf32, #tpu.memory_space<vmem_shared>>
      tpu.wait_dma2 semaphore(%run_scoped3A : memref<!tpu.dma_semaphore, #tpu.memory_space<semaphore_mem>>) src(%dma_wait3A_70 : memref<632x128xf32, #tpu.memory_space<vmem_shared>>) dst(%dma_wait3A_68 : memref<632x128xf32, #tpu.memory_space<hbm>>)
      tpu.yield
    }) : () -> ()
    %mul3A_15 = arith.constant 632 : i32
    %mul3A_16 = arith.muli %arg1, %mul3A_15 : i32
    %mul3A_17 = arith.constant 632 : i32
    %mul3A_18 = arith.muli %arg1, %mul3A_17 : i32
    "tpu.region"() ({
      %run_scoped3A = tpu.sem_alloc : memref<!tpu.dma_semaphore, #tpu.memory_space<semaphore_mem>>
      %dma_start3A = arith.constant 0 : i32
      %dma_start3A_63 = tpu.memref_slice %arg16[%mul3A_18, %dma_start3A] : memref<10112x128xf32, #tpu.memory_space<vmem_shared>> -> memref<632x128xf32, #tpu.memory_space<vmem_shared>>
      %dma_start3A_64 = arith.constant 0 : i32
      %dma_start3A_65 = tpu.memref_slice %arg4[%mul3A_16, %dma_start3A_64] : memref<10112x128xf32, #tpu.memory_space<hbm>> -> memref<632x128xf32, #tpu.memory_space<hbm>>
      tpu.enqueue_dma source(%dma_start3A_65 : memref<632x128xf32, #tpu.memory_space<hbm>>) target(%dma_start3A_63 : memref<632x128xf32, #tpu.memory_space<vmem_shared>>) target_semaphore(%run_scoped3A : memref<!tpu.dma_semaphore, #tpu.memory_space<semaphore_mem>>)
      %dma_wait3A = arith.constant 0 : i32
      %dma_wait3A_66 = tpu.memref_slice %arg16[%mul3A_18, %dma_wait3A] : memref<10112x128xf32, #tpu.memory_space<vmem_shared>> -> memref<632x128xf32, #tpu.memory_space<vmem_shared>>
      %dma_wait3A_67 = arith.constant 0 : i32
      %dma_wait3A_68 = tpu.memref_slice %arg4[%mul3A_16, %dma_wait3A_67] : memref<10112x128xf32, #tpu.memory_space<hbm>> -> memref<632x128xf32, #tpu.memory_space<hbm>>
      tpu.wait_dma2 semaphore(%run_scoped3A : memref<!tpu.dma_semaphore, #tpu.memory_space<semaphore_mem>>) src(%dma_wait3A_68 : memref<632x128xf32, #tpu.memory_space<hbm>>) dst(%dma_wait3A_66 : memref<632x128xf32, #tpu.memory_space<vmem_shared>>)
      tpu.yield
    }) : () -> ()
    %barrier3A_19 = arith.constant 0 : index
    tpu.barrier barrier_id(%barrier3A_19)
    %scan3A_20 = arith.constant 0 : i32
    %scan3A_21 = arith.constant 0 : i32
    %scan3A_22 = arith.constant 79 : i32
    %scan3A_23 = arith.addi %scan3A_21, %scan3A_22 : i32
    %scan3A_24 = arith.constant 1 : i32
    scf.for %scan3A_63 = %scan3A_21 to %scan3A_23 step %scan3A_24  : i32 {
      %dma_start3A = arith.constant 0 : i32
      %dma_start3A_64 = tpu.memref_slice %arg13[%scan3A_63, %dma_start3A] : memref<79x128xi32, #tpu.memory_space<vmem>> -> memref<1x128xi32, #tpu.memory_space<vmem>>
      %dma_start3A_65 = tpu.memref_squeeze %dma_start3A_64 : memref<1x128xi32, #tpu.memory_space<vmem>> -> memref<128xi32, #tpu.memory_space<vmem>>
      %dma_start3A_66 = arith.constant 0 : i32
      %dma_start3A_67 = arith.constant 0 : i32
      %dma_start3A_68 = tpu.memref_slice %arg6[%dma_start3A_66, %dma_start3A_67] : memref<10000x128xf32, #tpu.memory_space<hbm>> -> memref<10000x128xf32, #tpu.memory_space<hbm>>
      tpu.enqueue_indirect_dma source(%dma_start3A_68 : memref<10000x128xf32, #tpu.memory_space<hbm>>) target(%arg15 : memref<128x128xf32, #tpu.memory_space<vmem>>) offsets(%dma_start3A_65 : memref<128xi32, #tpu.memory_space<vmem>>) semaphore(%arg17 : memref<!tpu.dma_semaphore, #tpu.memory_space<semaphore_mem>>)
      %dma_wait3A = arith.constant 0 : i32
      %dma_wait3A_69 = tpu.memref_slice %arg13[%scan3A_63, %dma_wait3A] : memref<79x128xi32, #tpu.memory_space<vmem>> -> memref<1x128xi32, #tpu.memory_space<vmem>>
      %dma_wait3A_70 = tpu.memref_squeeze %dma_wait3A_69 : memref<1x128xi32, #tpu.memory_space<vmem>> -> memref<128xi32, #tpu.memory_space<vmem>>
      %dma_wait3A_71 = arith.constant 0 : i32
      %dma_wait3A_72 = arith.constant 0 : i32
      %dma_wait3A_73 = tpu.memref_slice %arg6[%dma_wait3A_71, %dma_wait3A_72] : memref<10000x128xf32, #tpu.memory_space<hbm>> -> memref<10000x128xf32, #tpu.memory_space<hbm>>
      tpu.wait_indirect_dma semaphore(%arg17 : memref<!tpu.dma_semaphore, #tpu.memory_space<semaphore_mem>>) src(%dma_wait3A_73 : memref<10000x128xf32, #tpu.memory_space<hbm>>) dst(%arg15 : memref<128x128xf32, #tpu.memory_space<vmem>>)
      "tpu.region"() ({
        %run_scoped3A = tpu.sem_alloc : memref<!tpu.dma_semaphore, #tpu.memory_space<semaphore_mem>>
        %dma_start3A_74 = arith.constant 0 : i32
        %dma_start3A_75 = tpu.memref_slice %arg14[%scan3A_63, %dma_start3A_74] : memref<79x128xi32, #tpu.memory_space<vmem>> -> memref<1x128xi32, #tpu.memory_space<vmem>>
        %dma_start3A_76 = tpu.memref_squeeze %dma_start3A_75 : memref<1x128xi32, #tpu.memory_space<vmem>> -> memref<128xi32, #tpu.memory_space<vmem>>
        %dma_start3A_77 = arith.constant 0 : i32
        %dma_start3A_78 = arith.constant 0 : i32
        %dma_start3A_79 = tpu.memref_slice %arg16[%dma_start3A_77, %dma_start3A_78] : memref<10112x128xf32, #tpu.memory_space<vmem_shared>> -> memref<10112x128xf32, #tpu.memory_space<vmem_shared>>
        tpu.enqueue_indirect_dma source(%arg15 : memref<128x128xf32, #tpu.memory_space<vmem>>) target(%dma_start3A_79 : memref<10112x128xf32, #tpu.memory_space<vmem_shared>>) offsets(%dma_start3A_76 : memref<128xi32, #tpu.memory_space<vmem>>) semaphore(%run_scoped3A : memref<!tpu.dma_semaphore, #tpu.memory_space<semaphore_mem>>) {add = true}
        %dma_wait3A_80 = arith.constant 0 : i32
        %dma_wait3A_81 = tpu.memref_slice %arg14[%scan3A_63, %dma_wait3A_80] : memref<79x128xi32, #tpu.memory_space<vmem>> -> memref<1x128xi32, #tpu.memory_space<vmem>>
        %dma_wait3A_82 = tpu.memref_squeeze %dma_wait3A_81 : memref<1x128xi32, #tpu.memory_space<vmem>> -> memref<128xi32, #tpu.memory_space<vmem>>
        %dma_wait3A_83 = arith.constant 0 : i32
        %dma_wait3A_84 = arith.constant 0 : i32
        %dma_wait3A_85 = tpu.memref_slice %arg16[%dma_wait3A_83, %dma_wait3A_84] : memref<10112x128xf32, #tpu.memory_space<vmem_shared>> -> memref<10112x128xf32, #tpu.memory_space<vmem_shared>>
        tpu.wait_indirect_dma semaphore(%run_scoped3A : memref<!tpu.dma_semaphore, #tpu.memory_space<semaphore_mem>>) src(%arg15 : memref<128x128xf32, #tpu.memory_space<vmem>>) dst(%dma_wait3A_85 : memref<10112x128xf32, #tpu.memory_space<vmem_shared>>)
        tpu.yield
      }) : () -> ()
    }
    %scan3A_25 = arith.constant 79 : i32
    %barrier3A_26 = arith.constant 0 : index
    tpu.barrier barrier_id(%barrier3A_26)
    %mul3A_27 = arith.constant 632 : i32
    %mul3A_28 = arith.muli %arg1, %mul3A_27 : i32
    %mul3A_29 = arith.constant 632 : i32
    %mul3A_30 = arith.muli %arg1, %mul3A_29 : i32
    "tpu.region"() ({
      %run_scoped3A = tpu.sem_alloc : memref<!tpu.dma_semaphore, #tpu.memory_space<semaphore_mem>>
      %dma_start3A = arith.constant 0 : i32
      %dma_start3A_63 = tpu.memref_slice %arg10[%arg0, %mul3A_30, %dma_start3A] : memref<2x10112x128xf32, #tpu.memory_space<hbm>> -> memref<1x632x128xf32, #tpu.memory_space<hbm>>
      %dma_start3A_64 = tpu.memref_squeeze %dma_start3A_63 : memref<1x632x128xf32, #tpu.memory_space<hbm>> -> memref<632x128xf32, #tpu.memory_space<hbm>>
      %dma_start3A_65 = arith.constant 0 : i32
      %dma_start3A_66 = tpu.memref_slice %arg16[%mul3A_28, %dma_start3A_65] : memref<10112x128xf32, #tpu.memory_space<vmem_shared>> -> memref<632x128xf32, #tpu.memory_space<vmem_shared>>
      tpu.enqueue_dma source(%dma_start3A_66 : memref<632x128xf32, #tpu.memory_space<vmem_shared>>) target(%dma_start3A_64 : memref<632x128xf32, #tpu.memory_space<hbm>>) target_semaphore(%run_scoped3A : memref<!tpu.dma_semaphore, #tpu.memory_space<semaphore_mem>>)
      %dma_wait3A = arith.constant 0 : i32
      %dma_wait3A_67 = tpu.memref_slice %arg10[%arg0, %mul3A_30, %dma_wait3A] : memref<2x10112x128xf32, #tpu.memory_space<hbm>> -> memref<1x632x128xf32, #tpu.memory_space<hbm>>
      %dma_wait3A_68 = tpu.memref_squeeze %dma_wait3A_67 : memref<1x632x128xf32, #tpu.memory_space<hbm>> -> memref<632x128xf32, #tpu.memory_space<hbm>>
      %dma_wait3A_69 = arith.constant 0 : i32
      %dma_wait3A_70 = tpu.memref_slice %arg16[%mul3A_28, %dma_wait3A_69] : memref<10112x128xf32, #tpu.memory_space<vmem_shared>> -> memref<632x128xf32, #tpu.memory_space<vmem_shared>>
      tpu.wait_dma2 semaphore(%run_scoped3A : memref<!tpu.dma_semaphore, #tpu.memory_space<semaphore_mem>>) src(%dma_wait3A_70 : memref<632x128xf32, #tpu.memory_space<vmem_shared>>) dst(%dma_wait3A_68 : memref<632x128xf32, #tpu.memory_space<hbm>>)
      tpu.yield
    }) : () -> ()
    %mul3A_31 = arith.constant 632 : i32
    %mul3A_32 = arith.muli %arg1, %mul3A_31 : i32
    %mul3A_33 = arith.constant 632 : i32
    %mul3A_34 = arith.muli %arg1, %mul3A_33 : i32
    "tpu.region"() ({
      %run_scoped3A = tpu.sem_alloc : memref<!tpu.dma_semaphore, #tpu.memory_space<semaphore_mem>>
      %dma_start3A = arith.constant 0 : i32
      %dma_start3A_63 = tpu.memref_slice %arg16[%mul3A_34, %dma_start3A] : memref<10112x128xf32, #tpu.memory_space<vmem_shared>> -> memref<632x128xf32, #tpu.memory_space<vmem_shared>>
      %dma_start3A_64 = arith.constant 0 : i32
      %dma_start3A_65 = tpu.memref_slice %arg4[%mul3A_32, %dma_start3A_64] : memref<10112x128xf32, #tpu.memory_space<hbm>> -> memref<632x128xf32, #tpu.memory_space<hbm>>
      tpu.enqueue_dma source(%dma_start3A_65 : memref<632x128xf32, #tpu.memory_space<hbm>>) target(%dma_start3A_63 : memref<632x128xf32, #tpu.memory_space<vmem_shared>>) target_semaphore(%run_scoped3A : memref<!tpu.dma_semaphore, #tpu.memory_space<semaphore_mem>>)
      %dma_wait3A = arith.constant 0 : i32
      %dma_wait3A_66 = tpu.memref_slice %arg16[%mul3A_34, %dma_wait3A] : memref<10112x128xf32, #tpu.memory_space<vmem_shared>> -> memref<632x128xf32, #tpu.memory_space<vmem_shared>>
      %dma_wait3A_67 = arith.constant 0 : i32
      %dma_wait3A_68 = tpu.memref_slice %arg4[%mul3A_32, %dma_wait3A_67] : memref<10112x128xf32, #tpu.memory_space<hbm>> -> memref<632x128xf32, #tpu.memory_space<hbm>>
      tpu.wait_dma2 semaphore(%run_scoped3A : memref<!tpu.dma_semaphore, #tpu.memory_space<semaphore_mem>>) src(%dma_wait3A_68 : memref<632x128xf32, #tpu.memory_space<hbm>>) dst(%dma_wait3A_66 : memref<632x128xf32, #tpu.memory_space<vmem_shared>>)
      tpu.yield
    }) : () -> ()
    %barrier3A_35 = arith.constant 0 : index
    tpu.barrier barrier_id(%barrier3A_35)
    %scan3A_36 = arith.constant 0 : i32
    %scan3A_37 = arith.constant 0 : i32
    %scan3A_38 = arith.constant 79 : i32
    %scan3A_39 = arith.addi %scan3A_37, %scan3A_38 : i32
    %scan3A_40 = arith.constant 1 : i32
    scf.for %scan3A_63 = %scan3A_37 to %scan3A_39 step %scan3A_40  : i32 {
      %dma_start3A = arith.constant 0 : i32
      %dma_start3A_64 = tpu.memref_slice %arg13[%scan3A_63, %dma_start3A] : memref<79x128xi32, #tpu.memory_space<vmem>> -> memref<1x128xi32, #tpu.memory_space<vmem>>
      %dma_start3A_65 = tpu.memref_squeeze %dma_start3A_64 : memref<1x128xi32, #tpu.memory_space<vmem>> -> memref<128xi32, #tpu.memory_space<vmem>>
      %dma_start3A_66 = arith.constant 0 : i32
      %dma_start3A_67 = arith.constant 0 : i32
      %dma_start3A_68 = tpu.memref_slice %arg7[%dma_start3A_66, %dma_start3A_67] : memref<10000x128xf32, #tpu.memory_space<hbm>> -> memref<10000x128xf32, #tpu.memory_space<hbm>>
      tpu.enqueue_indirect_dma source(%dma_start3A_68 : memref<10000x128xf32, #tpu.memory_space<hbm>>) target(%arg15 : memref<128x128xf32, #tpu.memory_space<vmem>>) offsets(%dma_start3A_65 : memref<128xi32, #tpu.memory_space<vmem>>) semaphore(%arg17 : memref<!tpu.dma_semaphore, #tpu.memory_space<semaphore_mem>>)
      %dma_wait3A = arith.constant 0 : i32
      %dma_wait3A_69 = tpu.memref_slice %arg13[%scan3A_63, %dma_wait3A] : memref<79x128xi32, #tpu.memory_space<vmem>> -> memref<1x128xi32, #tpu.memory_space<vmem>>
      %dma_wait3A_70 = tpu.memref_squeeze %dma_wait3A_69 : memref<1x128xi32, #tpu.memory_space<vmem>> -> memref<128xi32, #tpu.memory_space<vmem>>
      %dma_wait3A_71 = arith.constant 0 : i32
      %dma_wait3A_72 = arith.constant 0 : i32
      %dma_wait3A_73 = tpu.memref_slice %arg7[%dma_wait3A_71, %dma_wait3A_72] : memref<10000x128xf32, #tpu.memory_space<hbm>> -> memref<10000x128xf32, #tpu.memory_space<hbm>>
      tpu.wait_indirect_dma semaphore(%arg17 : memref<!tpu.dma_semaphore, #tpu.memory_space<semaphore_mem>>) src(%dma_wait3A_73 : memref<10000x128xf32, #tpu.memory_space<hbm>>) dst(%arg15 : memref<128x128xf32, #tpu.memory_space<vmem>>)
      "tpu.region"() ({
        %run_scoped3A = tpu.sem_alloc : memref<!tpu.dma_semaphore, #tpu.memory_space<semaphore_mem>>
        %dma_start3A_74 = arith.constant 0 : i32
        %dma_start3A_75 = tpu.memref_slice %arg14[%scan3A_63, %dma_start3A_74] : memref<79x128xi32, #tpu.memory_space<vmem>> -> memref<1x128xi32, #tpu.memory_space<vmem>>
        %dma_start3A_76 = tpu.memref_squeeze %dma_start3A_75 : memref<1x128xi32, #tpu.memory_space<vmem>> -> memref<128xi32, #tpu.memory_space<vmem>>
        %dma_start3A_77 = arith.constant 0 : i32
        %dma_start3A_78 = arith.constant 0 : i32
        %dma_start3A_79 = tpu.memref_slice %arg16[%dma_start3A_77, %dma_start3A_78] : memref<10112x128xf32, #tpu.memory_space<vmem_shared>> -> memref<10112x128xf32, #tpu.memory_space<vmem_shared>>
        tpu.enqueue_indirect_dma source(%arg15 : memref<128x128xf32, #tpu.memory_space<vmem>>) target(%dma_start3A_79 : memref<10112x128xf32, #tpu.memory_space<vmem_shared>>) offsets(%dma_start3A_76 : memref<128xi32, #tpu.memory_space<vmem>>) semaphore(%run_scoped3A : memref<!tpu.dma_semaphore, #tpu.memory_space<semaphore_mem>>) {add = true}
        %dma_wait3A_80 = arith.constant 0 : i32
        %dma_wait3A_81 = tpu.memref_slice %arg14[%scan3A_63, %dma_wait3A_80] : memref<79x128xi32, #tpu.memory_space<vmem>> -> memref<1x128xi32, #tpu.memory_space<vmem>>
        %dma_wait3A_82 = tpu.memref_squeeze %dma_wait3A_81 : memref<1x128xi32, #tpu.memory_space<vmem>> -> memref<128xi32, #tpu.memory_space<vmem>>
        %dma_wait3A_83 = arith.constant 0 : i32
        %dma_wait3A_84 = arith.constant 0 : i32
        %dma_wait3A_85 = tpu.memref_slice %arg16[%dma_wait3A_83, %dma_wait3A_84] : memref<10112x128xf32, #tpu.memory_space<vmem_shared>> -> memref<10112x128xf32, #tpu.memory_space<vmem_shared>>
        tpu.wait_indirect_dma semaphore(%run_scoped3A : memref<!tpu.dma_semaphore, #tpu.memory_space<semaphore_mem>>) src(%arg15 : memref<128x128xf32, #tpu.memory_space<vmem>>) dst(%dma_wait3A_85 : memref<10112x128xf32, #tpu.memory_space<vmem_shared>>)
        tpu.yield
      }) : () -> ()
    }
    %scan3A_41 = arith.constant 79 : i32
    %barrier3A_42 = arith.constant 0 : index
    tpu.barrier barrier_id(%barrier3A_42)
    %mul3A_43 = arith.constant 632 : i32
    %mul3A_44 = arith.muli %arg1, %mul3A_43 : i32
    %mul3A_45 = arith.constant 632 : i32
    %mul3A_46 = arith.muli %arg1, %mul3A_45 : i32
    "tpu.region"() ({
      %run_scoped3A = tpu.sem_alloc : memref<!tpu.dma_semaphore, #tpu.memory_space<semaphore_mem>>
      %dma_start3A = arith.constant 0 : i32
      %dma_start3A_63 = tpu.memref_slice %arg11[%arg0, %mul3A_46, %dma_start3A] : memref<2x10112x128xf32, #tpu.memory_space<hbm>> -> memref<1x632x128xf32, #tpu.memory_space<hbm>>
      %dma_start3A_64 = tpu.memref_squeeze %dma_start3A_63 : memref<1x632x128xf32, #tpu.memory_space<hbm>> -> memref<632x128xf32, #tpu.memory_space<hbm>>
      %dma_start3A_65 = arith.constant 0 : i32
      %dma_start3A_66 = tpu.memref_slice %arg16[%mul3A_44, %dma_start3A_65] : memref<10112x128xf32, #tpu.memory_space<vmem_shared>> -> memref<632x128xf32, #tpu.memory_space<vmem_shared>>
      tpu.enqueue_dma source(%dma_start3A_66 : memref<632x128xf32, #tpu.memory_space<vmem_shared>>) target(%dma_start3A_64 : memref<632x128xf32, #tpu.memory_space<hbm>>) target_semaphore(%run_scoped3A : memref<!tpu.dma_semaphore, #tpu.memory_space<semaphore_mem>>)
      %dma_wait3A = arith.constant 0 : i32
      %dma_wait3A_67 = tpu.memref_slice %arg11[%arg0, %mul3A_46, %dma_wait3A] : memref<2x10112x128xf32, #tpu.memory_space<hbm>> -> memref<1x632x128xf32, #tpu.memory_space<hbm>>
      %dma_wait3A_68 = tpu.memref_squeeze %dma_wait3A_67 : memref<1x632x128xf32, #tpu.memory_space<hbm>> -> memref<632x128xf32, #tpu.memory_space<hbm>>
      %dma_wait3A_69 = arith.constant 0 : i32
      %dma_wait3A_70 = tpu.memref_slice %arg16[%mul3A_44, %dma_wait3A_69] : memref<10112x128xf32, #tpu.memory_space<vmem_shared>> -> memref<632x128xf32, #tpu.memory_space<vmem_shared>>
      tpu.wait_dma2 semaphore(%run_scoped3A : memref<!tpu.dma_semaphore, #tpu.memory_space<semaphore_mem>>) src(%dma_wait3A_70 : memref<632x128xf32, #tpu.memory_space<vmem_shared>>) dst(%dma_wait3A_68 : memref<632x128xf32, #tpu.memory_space<hbm>>)
      tpu.yield
    }) : () -> ()
    %mul3A_47 = arith.constant 632 : i32
    %mul3A_48 = arith.muli %arg1, %mul3A_47 : i32
    %mul3A_49 = arith.constant 632 : i32
    %mul3A_50 = arith.muli %arg1, %mul3A_49 : i32
    "tpu.region"() ({
      %run_scoped3A = tpu.sem_alloc : memref<!tpu.dma_semaphore, #tpu.memory_space<semaphore_mem>>
      %dma_start3A = arith.constant 0 : i32
      %dma_start3A_63 = tpu.memref_slice %arg16[%mul3A_50, %dma_start3A] : memref<10112x128xf32, #tpu.memory_space<vmem_shared>> -> memref<632x128xf32, #tpu.memory_space<vmem_shared>>
      %dma_start3A_64 = arith.constant 0 : i32
      %dma_start3A_65 = tpu.memref_slice %arg4[%mul3A_48, %dma_start3A_64] : memref<10112x128xf32, #tpu.memory_space<hbm>> -> memref<632x128xf32, #tpu.memory_space<hbm>>
      tpu.enqueue_dma source(%dma_start3A_65 : memref<632x128xf32, #tpu.memory_space<hbm>>) target(%dma_start3A_63 : memref<632x128xf32, #tpu.memory_space<vmem_shared>>) target_semaphore(%run_scoped3A : memref<!tpu.dma_semaphore, #tpu.memory_space<semaphore_mem>>)
      %dma_wait3A = arith.constant 0 : i32
      %dma_wait3A_66 = tpu.memref_slice %arg16[%mul3A_50, %dma_wait3A] : memref<10112x128xf32, #tpu.memory_space<vmem_shared>> -> memref<632x128xf32, #tpu.memory_space<vmem_shared>>
      %dma_wait3A_67 = arith.constant 0 : i32
      %dma_wait3A_68 = tpu.memref_slice %arg4[%mul3A_48, %dma_wait3A_67] : memref<10112x128xf32, #tpu.memory_space<hbm>> -> memref<632x128xf32, #tpu.memory_space<hbm>>
      tpu.wait_dma2 semaphore(%run_scoped3A : memref<!tpu.dma_semaphore, #tpu.memory_space<semaphore_mem>>) src(%dma_wait3A_68 : memref<632x128xf32, #tpu.memory_space<hbm>>) dst(%dma_wait3A_66 : memref<632x128xf32, #tpu.memory_space<vmem_shared>>)
      tpu.yield
    }) : () -> ()
    %barrier3A_51 = arith.constant 0 : index
    tpu.barrier barrier_id(%barrier3A_51)
    %scan3A_52 = arith.constant 0 : i32
    %scan3A_53 = arith.constant 0 : i32
    %scan3A_54 = arith.constant 79 : i32
    %scan3A_55 = arith.addi %scan3A_53, %scan3A_54 : i32
    %scan3A_56 = arith.constant 1 : i32
    scf.for %scan3A_63 = %scan3A_53 to %scan3A_55 step %scan3A_56  : i32 {
      %dma_start3A = arith.constant 0 : i32
      %dma_start3A_64 = tpu.memref_slice %arg13[%scan3A_63, %dma_start3A] : memref<79x128xi32, #tpu.memory_space<vmem>> -> memref<1x128xi32, #tpu.memory_space<vmem>>
      %dma_start3A_65 = tpu.memref_squeeze %dma_start3A_64 : memref<1x128xi32, #tpu.memory_space<vmem>> -> memref<128xi32, #tpu.memory_space<vmem>>
      %dma_start3A_66 = arith.constant 0 : i32
      %dma_start3A_67 = arith.constant 0 : i32
      %dma_start3A_68 = tpu.memref_slice %arg8[%dma_start3A_66, %dma_start3A_67] : memref<10000x128xf32, #tpu.memory_space<hbm>> -> memref<10000x128xf32, #tpu.memory_space<hbm>>
      tpu.enqueue_indirect_dma source(%dma_start3A_68 : memref<10000x128xf32, #tpu.memory_space<hbm>>) target(%arg15 : memref<128x128xf32, #tpu.memory_space<vmem>>) offsets(%dma_start3A_65 : memref<128xi32, #tpu.memory_space<vmem>>) semaphore(%arg17 : memref<!tpu.dma_semaphore, #tpu.memory_space<semaphore_mem>>)
      %dma_wait3A = arith.constant 0 : i32
      %dma_wait3A_69 = tpu.memref_slice %arg13[%scan3A_63, %dma_wait3A] : memref<79x128xi32, #tpu.memory_space<vmem>> -> memref<1x128xi32, #tpu.memory_space<vmem>>
      %dma_wait3A_70 = tpu.memref_squeeze %dma_wait3A_69 : memref<1x128xi32, #tpu.memory_space<vmem>> -> memref<128xi32, #tpu.memory_space<vmem>>
      %dma_wait3A_71 = arith.constant 0 : i32
      %dma_wait3A_72 = arith.constant 0 : i32
      %dma_wait3A_73 = tpu.memref_slice %arg8[%dma_wait3A_71, %dma_wait3A_72] : memref<10000x128xf32, #tpu.memory_space<hbm>> -> memref<10000x128xf32, #tpu.memory_space<hbm>>
      tpu.wait_indirect_dma semaphore(%arg17 : memref<!tpu.dma_semaphore, #tpu.memory_space<semaphore_mem>>) src(%dma_wait3A_73 : memref<10000x128xf32, #tpu.memory_space<hbm>>) dst(%arg15 : memref<128x128xf32, #tpu.memory_space<vmem>>)
      "tpu.region"() ({
        %run_scoped3A = tpu.sem_alloc : memref<!tpu.dma_semaphore, #tpu.memory_space<semaphore_mem>>
        %dma_start3A_74 = arith.constant 0 : i32
        %dma_start3A_75 = tpu.memref_slice %arg14[%scan3A_63, %dma_start3A_74] : memref<79x128xi32, #tpu.memory_space<vmem>> -> memref<1x128xi32, #tpu.memory_space<vmem>>
        %dma_start3A_76 = tpu.memref_squeeze %dma_start3A_75 : memref<1x128xi32, #tpu.memory_space<vmem>> -> memref<128xi32, #tpu.memory_space<vmem>>
        %dma_start3A_77 = arith.constant 0 : i32
        %dma_start3A_78 = arith.constant 0 : i32
        %dma_start3A_79 = tpu.memref_slice %arg16[%dma_start3A_77, %dma_start3A_78] : memref<10112x128xf32, #tpu.memory_space<vmem_shared>> -> memref<10112x128xf32, #tpu.memory_space<vmem_shared>>
        tpu.enqueue_indirect_dma source(%arg15 : memref<128x128xf32, #tpu.memory_space<vmem>>) target(%dma_start3A_79 : memref<10112x128xf32, #tpu.memory_space<vmem_shared>>) offsets(%dma_start3A_76 : memref<128xi32, #tpu.memory_space<vmem>>) semaphore(%run_scoped3A : memref<!tpu.dma_semaphore, #tpu.memory_space<semaphore_mem>>) {add = true}
        %dma_wait3A_80 = arith.constant 0 : i32
        %dma_wait3A_81 = tpu.memref_slice %arg14[%scan3A_63, %dma_wait3A_80] : memref<79x128xi32, #tpu.memory_space<vmem>> -> memref<1x128xi32, #tpu.memory_space<vmem>>
        %dma_wait3A_82 = tpu.memref_squeeze %dma_wait3A_81 : memref<1x128xi32, #tpu.memory_space<vmem>> -> memref<128xi32, #tpu.memory_space<vmem>>
        %dma_wait3A_83 = arith.constant 0 : i32
        %dma_wait3A_84 = arith.constant 0 : i32
        %dma_wait3A_85 = tpu.memref_slice %arg16[%dma_wait3A_83, %dma_wait3A_84] : memref<10112x128xf32, #tpu.memory_space<vmem_shared>> -> memref<10112x128xf32, #tpu.memory_space<vmem_shared>>
        tpu.wait_indirect_dma semaphore(%run_scoped3A : memref<!tpu.dma_semaphore, #tpu.memory_space<semaphore_mem>>) src(%arg15 : memref<128x128xf32, #tpu.memory_space<vmem>>) dst(%dma_wait3A_85 : memref<10112x128xf32, #tpu.memory_space<vmem_shared>>)
        tpu.yield
      }) : () -> ()
    }
    %scan3A_57 = arith.constant 79 : i32
    %barrier3A_58 = arith.constant 0 : index
    tpu.barrier barrier_id(%barrier3A_58)
    %mul3A_59 = arith.constant 632 : i32
    %mul3A_60 = arith.muli %arg1, %mul3A_59 : i32
    %mul3A_61 = arith.constant 632 : i32
    %mul3A_62 = arith.muli %arg1, %mul3A_61 : i32
    "tpu.region"() ({
      %run_scoped3A = tpu.sem_alloc : memref<!tpu.dma_semaphore, #tpu.memory_space<semaphore_mem>>
      %dma_start3A = arith.constant 0 : i32
      %dma_start3A_63 = tpu.memref_slice %arg12[%arg0, %mul3A_62, %dma_start3A] : memref<2x10112x128xf32, #tpu.memory_space<hbm>> -> memref<1x632x128xf32, #tpu.memory_space<hbm>>
      %dma_start3A_64 = tpu.memref_squeeze %dma_start3A_63 : memref<1x632x128xf32, #tpu.memory_space<hbm>> -> memref<632x128xf32, #tpu.memory_space<hbm>>
      %dma_start3A_65 = arith.constant 0 : i32
      %dma_start3A_66 = tpu.memref_slice %arg16[%mul3A_60, %dma_start3A_65] : memref<10112x128xf32, #tpu.memory_space<vmem_shared>> -> memref<632x128xf32, #tpu.memory_space<vmem_shared>>
      tpu.enqueue_dma source(%dma_start3A_66 : memref<632x128xf32, #tpu.memory_space<vmem_shared>>) target(%dma_start3A_64 : memref<632x128xf32, #tpu.memory_space<hbm>>) target_semaphore(%run_scoped3A : memref<!tpu.dma_semaphore, #tpu.memory_space<semaphore_mem>>)
      %dma_wait3A = arith.constant 0 : i32
      %dma_wait3A_67 = tpu.memref_slice %arg12[%arg0, %mul3A_62, %dma_wait3A] : memref<2x10112x128xf32, #tpu.memory_space<hbm>> -> memref<1x632x128xf32, #tpu.memory_space<hbm>>
      %dma_wait3A_68 = tpu.memref_squeeze %dma_wait3A_67 : memref<1x632x128xf32, #tpu.memory_space<hbm>> -> memref<632x128xf32, #tpu.memory_space<hbm>>
      %dma_wait3A_69 = arith.constant 0 : i32
      %dma_wait3A_70 = tpu.memref_slice %arg16[%mul3A_60, %dma_wait3A_69] : memref<10112x128xf32, #tpu.memory_space<vmem_shared>> -> memref<632x128xf32, #tpu.memory_space<vmem_shared>>
      tpu.wait_dma2 semaphore(%run_scoped3A : memref<!tpu.dma_semaphore, #tpu.memory_space<semaphore_mem>>) src(%dma_wait3A_70 : memref<632x128xf32, #tpu.memory_space<vmem_shared>>) dst(%dma_wait3A_68 : memref<632x128xf32, #tpu.memory_space<hbm>>)
      tpu.yield
    }) : () -> ()
    return
  }
}

#map = affine_map<(d0, d1) -> (0, 0, 0)>
#map1 = affine_map<(d0, d1) -> (0, 0)>
module attributes {stable_mosaic.version = 14 : i64} {
  func.func @_segsum_body(%arg0: i32, %arg1: i32, %arg2: memref<32x79x128xi32, #tpu.memory_space<hbm>>, %arg3: memref<32x79x128xi32, #tpu.memory_space<hbm>>, %arg4: memref<10112x128xf32, #tpu.memory_space<hbm>>, %arg5: memref<10000x128xf32, #tpu.memory_space<hbm>>, %arg6: memref<2x10112x128xf32, #tpu.memory_space<hbm>>, %arg7: memref<79x128xi32, #tpu.memory_space<vmem>>, %arg8: memref<79x128xi32, #tpu.memory_space<vmem>>, %arg9: memref<128x128xf32, #tpu.memory_space<vmem>>, %arg10: memref<10112x128xf32, #tpu.memory_space<vmem_shared>>, %arg11: memref<!tpu.dma_semaphore, #tpu.memory_space<semaphore_mem>>) attributes {dimension_semantics = [#tpu.dimension_semantics<core_parallel>, #tpu.dimension_semantics<subcore_parallel>], iteration_bounds = array<i64: 2, 16>, scalar_prefetch = 0 : i64, scratch_operands = 5 : i64, tpu.core_type = #tpu.core_type<sc_vector_subcore>, window_params = [{transform_indices = #map}, {transform_indices = #map}, {transform_indices = #map1}, {transform_indices = #map1}, {transform_indices = #map}]} {
    %mul3A = arith.constant 16 : i32
    %mul3A_0 = arith.muli %arg0, %mul3A : i32
    %add3A = arith.addi %mul3A_0, %arg1 : i32
    "tpu.region"() ({
      %run_scoped3A = tpu.sem_alloc : memref<!tpu.dma_semaphore, #tpu.memory_space<semaphore_mem>>
      %dma_start3A = arith.constant 0 : i32
      %dma_start3A_15 = arith.constant 0 : i32
      %dma_start3A_16 = tpu.memref_slice %arg2[%add3A, %dma_start3A, %dma_start3A_15] : memref<32x79x128xi32, #tpu.memory_space<hbm>> -> memref<1x79x128xi32, #tpu.memory_space<hbm>>
      %dma_start3A_17 = tpu.memref_squeeze %dma_start3A_16 : memref<1x79x128xi32, #tpu.memory_space<hbm>> -> memref<79x128xi32, #tpu.memory_space<hbm>>
      %dma_start3A_18 = arith.constant 0 : i32
      %dma_start3A_19 = arith.constant 0 : i32
      %dma_start3A_20 = tpu.memref_slice %arg2[%add3A, %dma_start3A_18, %dma_start3A_19] : memref<32x79x128xi32, #tpu.memory_space<hbm>> -> memref<1x79x128xi32, #tpu.memory_space<hbm>>
      %dma_start3A_21 = tpu.memref_squeeze %dma_start3A_20 : memref<1x79x128xi32, #tpu.memory_space<hbm>> -> memref<79x128xi32, #tpu.memory_space<hbm>>
      tpu.enqueue_dma source(%dma_start3A_21 : memref<79x128xi32, #tpu.memory_space<hbm>>) target(%arg7 : memref<79x128xi32, #tpu.memory_space<vmem>>) target_semaphore(%run_scoped3A : memref<!tpu.dma_semaphore, #tpu.memory_space<semaphore_mem>>)
      %dma_wait3A = arith.constant 0 : i32
      %dma_wait3A_22 = arith.constant 0 : i32
      %dma_wait3A_23 = tpu.memref_slice %arg2[%add3A, %dma_wait3A, %dma_wait3A_22] : memref<32x79x128xi32, #tpu.memory_space<hbm>> -> memref<1x79x128xi32, #tpu.memory_space<hbm>>
      %dma_wait3A_24 = tpu.memref_squeeze %dma_wait3A_23 : memref<1x79x128xi32, #tpu.memory_space<hbm>> -> memref<79x128xi32, #tpu.memory_space<hbm>>
      %dma_wait3A_25 = arith.constant 0 : i32
      %dma_wait3A_26 = arith.constant 0 : i32
      %dma_wait3A_27 = tpu.memref_slice %arg2[%add3A, %dma_wait3A_25, %dma_wait3A_26] : memref<32x79x128xi32, #tpu.memory_space<hbm>> -> memref<1x79x128xi32, #tpu.memory_space<hbm>>
      %dma_wait3A_28 = tpu.memref_squeeze %dma_wait3A_27 : memref<1x79x128xi32, #tpu.memory_space<hbm>> -> memref<79x128xi32, #tpu.memory_space<hbm>>
      tpu.wait_dma2 semaphore(%run_scoped3A : memref<!tpu.dma_semaphore, #tpu.memory_space<semaphore_mem>>) src(%dma_wait3A_28 : memref<79x128xi32, #tpu.memory_space<hbm>>) dst(%arg7 : memref<79x128xi32, #tpu.memory_space<vmem>>)
      tpu.yield
    }) : () -> ()
    "tpu.region"() ({
      %run_scoped3A = tpu.sem_alloc : memref<!tpu.dma_semaphore, #tpu.memory_space<semaphore_mem>>
      %dma_start3A = arith.constant 0 : i32
      %dma_start3A_15 = arith.constant 0 : i32
      %dma_start3A_16 = tpu.memref_slice %arg3[%add3A, %dma_start3A, %dma_start3A_15] : memref<32x79x128xi32, #tpu.memory_space<hbm>> -> memref<1x79x128xi32, #tpu.memory_space<hbm>>
      %dma_start3A_17 = tpu.memref_squeeze %dma_start3A_16 : memref<1x79x128xi32, #tpu.memory_space<hbm>> -> memref<79x128xi32, #tpu.memory_space<hbm>>
      %dma_start3A_18 = arith.constant 0 : i32
      %dma_start3A_19 = arith.constant 0 : i32
      %dma_start3A_20 = tpu.memref_slice %arg3[%add3A, %dma_start3A_18, %dma_start3A_19] : memref<32x79x128xi32, #tpu.memory_space<hbm>> -> memref<1x79x128xi32, #tpu.memory_space<hbm>>
      %dma_start3A_21 = tpu.memref_squeeze %dma_start3A_20 : memref<1x79x128xi32, #tpu.memory_space<hbm>> -> memref<79x128xi32, #tpu.memory_space<hbm>>
      tpu.enqueue_dma source(%dma_start3A_21 : memref<79x128xi32, #tpu.memory_space<hbm>>) target(%arg8 : memref<79x128xi32, #tpu.memory_space<vmem>>) target_semaphore(%run_scoped3A : memref<!tpu.dma_semaphore, #tpu.memory_space<semaphore_mem>>)
      %dma_wait3A = arith.constant 0 : i32
      %dma_wait3A_22 = arith.constant 0 : i32
      %dma_wait3A_23 = tpu.memref_slice %arg3[%add3A, %dma_wait3A, %dma_wait3A_22] : memref<32x79x128xi32, #tpu.memory_space<hbm>> -> memref<1x79x128xi32, #tpu.memory_space<hbm>>
      %dma_wait3A_24 = tpu.memref_squeeze %dma_wait3A_23 : memref<1x79x128xi32, #tpu.memory_space<hbm>> -> memref<79x128xi32, #tpu.memory_space<hbm>>
      %dma_wait3A_25 = arith.constant 0 : i32
      %dma_wait3A_26 = arith.constant 0 : i32
      %dma_wait3A_27 = tpu.memref_slice %arg3[%add3A, %dma_wait3A_25, %dma_wait3A_26] : memref<32x79x128xi32, #tpu.memory_space<hbm>> -> memref<1x79x128xi32, #tpu.memory_space<hbm>>
      %dma_wait3A_28 = tpu.memref_squeeze %dma_wait3A_27 : memref<1x79x128xi32, #tpu.memory_space<hbm>> -> memref<79x128xi32, #tpu.memory_space<hbm>>
      tpu.wait_dma2 semaphore(%run_scoped3A : memref<!tpu.dma_semaphore, #tpu.memory_space<semaphore_mem>>) src(%dma_wait3A_28 : memref<79x128xi32, #tpu.memory_space<hbm>>) dst(%arg8 : memref<79x128xi32, #tpu.memory_space<vmem>>)
      tpu.yield
    }) : () -> ()
    %mul3A_1 = arith.constant 632 : i32
    %mul3A_2 = arith.muli %arg1, %mul3A_1 : i32
    %mul3A_3 = arith.constant 632 : i32
    %mul3A_4 = arith.muli %arg1, %mul3A_3 : i32
    "tpu.region"() ({
      %run_scoped3A = tpu.sem_alloc : memref<!tpu.dma_semaphore, #tpu.memory_space<semaphore_mem>>
      %dma_start3A = arith.constant 0 : i32
      %dma_start3A_15 = tpu.memref_slice %arg10[%mul3A_4, %dma_start3A] : memref<10112x128xf32, #tpu.memory_space<vmem_shared>> -> memref<632x128xf32, #tpu.memory_space<vmem_shared>>
      %dma_start3A_16 = arith.constant 0 : i32
      %dma_start3A_17 = tpu.memref_slice %arg4[%mul3A_2, %dma_start3A_16] : memref<10112x128xf32, #tpu.memory_space<hbm>> -> memref<632x128xf32, #tpu.memory_space<hbm>>
      tpu.enqueue_dma source(%dma_start3A_17 : memref<632x128xf32, #tpu.memory_space<hbm>>) target(%dma_start3A_15 : memref<632x128xf32, #tpu.memory_space<vmem_shared>>) target_semaphore(%run_scoped3A : memref<!tpu.dma_semaphore, #tpu.memory_space<semaphore_mem>>)
      %dma_wait3A = arith.constant 0 : i32
      %dma_wait3A_18 = tpu.memref_slice %arg10[%mul3A_4, %dma_wait3A] : memref<10112x128xf32, #tpu.memory_space<vmem_shared>> -> memref<632x128xf32, #tpu.memory_space<vmem_shared>>
      %dma_wait3A_19 = arith.constant 0 : i32
      %dma_wait3A_20 = tpu.memref_slice %arg4[%mul3A_2, %dma_wait3A_19] : memref<10112x128xf32, #tpu.memory_space<hbm>> -> memref<632x128xf32, #tpu.memory_space<hbm>>
      tpu.wait_dma2 semaphore(%run_scoped3A : memref<!tpu.dma_semaphore, #tpu.memory_space<semaphore_mem>>) src(%dma_wait3A_20 : memref<632x128xf32, #tpu.memory_space<hbm>>) dst(%dma_wait3A_18 : memref<632x128xf32, #tpu.memory_space<vmem_shared>>)
      tpu.yield
    }) : () -> ()
    %barrier3A = arith.constant 0 : index
    tpu.barrier barrier_id(%barrier3A)
    %scan3A = arith.constant 0 : i32
    %scan3A_5 = arith.constant 0 : i32
    %scan3A_6 = arith.constant 79 : i32
    %scan3A_7 = arith.addi %scan3A_5, %scan3A_6 : i32
    %scan3A_8 = arith.constant 1 : i32
    scf.for %scan3A_15 = %scan3A_5 to %scan3A_7 step %scan3A_8  : i32 {
      %dma_start3A = arith.constant 0 : i32
      %dma_start3A_16 = tpu.memref_slice %arg7[%scan3A_15, %dma_start3A] : memref<79x128xi32, #tpu.memory_space<vmem>> -> memref<1x128xi32, #tpu.memory_space<vmem>>
      %dma_start3A_17 = tpu.memref_squeeze %dma_start3A_16 : memref<1x128xi32, #tpu.memory_space<vmem>> -> memref<128xi32, #tpu.memory_space<vmem>>
      %dma_start3A_18 = arith.constant 0 : i32
      %dma_start3A_19 = arith.constant 0 : i32
      %dma_start3A_20 = tpu.memref_slice %arg5[%dma_start3A_18, %dma_start3A_19] : memref<10000x128xf32, #tpu.memory_space<hbm>> -> memref<10000x128xf32, #tpu.memory_space<hbm>>
      tpu.enqueue_indirect_dma source(%dma_start3A_20 : memref<10000x128xf32, #tpu.memory_space<hbm>>) target(%arg9 : memref<128x128xf32, #tpu.memory_space<vmem>>) offsets(%dma_start3A_17 : memref<128xi32, #tpu.memory_space<vmem>>) semaphore(%arg11 : memref<!tpu.dma_semaphore, #tpu.memory_space<semaphore_mem>>)
      %dma_wait3A = arith.constant 0 : i32
      %dma_wait3A_21 = tpu.memref_slice %arg7[%scan3A_15, %dma_wait3A] : memref<79x128xi32, #tpu.memory_space<vmem>> -> memref<1x128xi32, #tpu.memory_space<vmem>>
      %dma_wait3A_22 = tpu.memref_squeeze %dma_wait3A_21 : memref<1x128xi32, #tpu.memory_space<vmem>> -> memref<128xi32, #tpu.memory_space<vmem>>
      %dma_wait3A_23 = arith.constant 0 : i32
      %dma_wait3A_24 = arith.constant 0 : i32
      %dma_wait3A_25 = tpu.memref_slice %arg5[%dma_wait3A_23, %dma_wait3A_24] : memref<10000x128xf32, #tpu.memory_space<hbm>> -> memref<10000x128xf32, #tpu.memory_space<hbm>>
      tpu.wait_indirect_dma semaphore(%arg11 : memref<!tpu.dma_semaphore, #tpu.memory_space<semaphore_mem>>) src(%dma_wait3A_25 : memref<10000x128xf32, #tpu.memory_space<hbm>>) dst(%arg9 : memref<128x128xf32, #tpu.memory_space<vmem>>)
      "tpu.region"() ({
        %run_scoped3A = tpu.sem_alloc : memref<!tpu.dma_semaphore, #tpu.memory_space<semaphore_mem>>
        %dma_start3A_26 = arith.constant 0 : i32
        %dma_start3A_27 = tpu.memref_slice %arg8[%scan3A_15, %dma_start3A_26] : memref<79x128xi32, #tpu.memory_space<vmem>> -> memref<1x128xi32, #tpu.memory_space<vmem>>
        %dma_start3A_28 = tpu.memref_squeeze %dma_start3A_27 : memref<1x128xi32, #tpu.memory_space<vmem>> -> memref<128xi32, #tpu.memory_space<vmem>>
        %dma_start3A_29 = arith.constant 0 : i32
        %dma_start3A_30 = arith.constant 0 : i32
        %dma_start3A_31 = tpu.memref_slice %arg10[%dma_start3A_29, %dma_start3A_30] : memref<10112x128xf32, #tpu.memory_space<vmem_shared>> -> memref<10112x128xf32, #tpu.memory_space<vmem_shared>>
        tpu.enqueue_indirect_dma source(%arg9 : memref<128x128xf32, #tpu.memory_space<vmem>>) target(%dma_start3A_31 : memref<10112x128xf32, #tpu.memory_space<vmem_shared>>) offsets(%dma_start3A_28 : memref<128xi32, #tpu.memory_space<vmem>>) semaphore(%run_scoped3A : memref<!tpu.dma_semaphore, #tpu.memory_space<semaphore_mem>>) {add = true}
        %dma_wait3A_32 = arith.constant 0 : i32
        %dma_wait3A_33 = tpu.memref_slice %arg8[%scan3A_15, %dma_wait3A_32] : memref<79x128xi32, #tpu.memory_space<vmem>> -> memref<1x128xi32, #tpu.memory_space<vmem>>
        %dma_wait3A_34 = tpu.memref_squeeze %dma_wait3A_33 : memref<1x128xi32, #tpu.memory_space<vmem>> -> memref<128xi32, #tpu.memory_space<vmem>>
        %dma_wait3A_35 = arith.constant 0 : i32
        %dma_wait3A_36 = arith.constant 0 : i32
        %dma_wait3A_37 = tpu.memref_slice %arg10[%dma_wait3A_35, %dma_wait3A_36] : memref<10112x128xf32, #tpu.memory_space<vmem_shared>> -> memref<10112x128xf32, #tpu.memory_space<vmem_shared>>
        tpu.wait_indirect_dma semaphore(%run_scoped3A : memref<!tpu.dma_semaphore, #tpu.memory_space<semaphore_mem>>) src(%arg9 : memref<128x128xf32, #tpu.memory_space<vmem>>) dst(%dma_wait3A_37 : memref<10112x128xf32, #tpu.memory_space<vmem_shared>>)
        tpu.yield
      }) : () -> ()
    }
    %scan3A_9 = arith.constant 79 : i32
    %barrier3A_10 = arith.constant 0 : index
    tpu.barrier barrier_id(%barrier3A_10)
    %mul3A_11 = arith.constant 632 : i32
    %mul3A_12 = arith.muli %arg1, %mul3A_11 : i32
    %mul3A_13 = arith.constant 632 : i32
    %mul3A_14 = arith.muli %arg1, %mul3A_13 : i32
    "tpu.region"() ({
      %run_scoped3A = tpu.sem_alloc : memref<!tpu.dma_semaphore, #tpu.memory_space<semaphore_mem>>
      %dma_start3A = arith.constant 0 : i32
      %dma_start3A_15 = tpu.memref_slice %arg6[%arg0, %mul3A_14, %dma_start3A] : memref<2x10112x128xf32, #tpu.memory_space<hbm>> -> memref<1x632x128xf32, #tpu.memory_space<hbm>>
      %dma_start3A_16 = tpu.memref_squeeze %dma_start3A_15 : memref<1x632x128xf32, #tpu.memory_space<hbm>> -> memref<632x128xf32, #tpu.memory_space<hbm>>
      %dma_start3A_17 = arith.constant 0 : i32
      %dma_start3A_18 = tpu.memref_slice %arg10[%mul3A_12, %dma_start3A_17] : memref<10112x128xf32, #tpu.memory_space<vmem_shared>> -> memref<632x128xf32, #tpu.memory_space<vmem_shared>>
      tpu.enqueue_dma source(%dma_start3A_18 : memref<632x128xf32, #tpu.memory_space<vmem_shared>>) target(%dma_start3A_16 : memref<632x128xf32, #tpu.memory_space<hbm>>) target_semaphore(%run_scoped3A : memref<!tpu.dma_semaphore, #tpu.memory_space<semaphore_mem>>)
      %dma_wait3A = arith.constant 0 : i32
      %dma_wait3A_19 = tpu.memref_slice %arg6[%arg0, %mul3A_14, %dma_wait3A] : memref<2x10112x128xf32, #tpu.memory_space<hbm>> -> memref<1x632x128xf32, #tpu.memory_space<hbm>>
      %dma_wait3A_20 = tpu.memref_squeeze %dma_wait3A_19 : memref<1x632x128xf32, #tpu.memory_space<hbm>> -> memref<632x128xf32, #tpu.memory_space<hbm>>
      %dma_wait3A_21 = arith.constant 0 : i32
      %dma_wait3A_22 = tpu.memref_slice %arg10[%mul3A_12, %dma_wait3A_21] : memref<10112x128xf32, #tpu.memory_space<vmem_shared>> -> memref<632x128xf32, #tpu.memory_space<vmem_shared>>
      tpu.wait_dma2 semaphore(%run_scoped3A : memref<!tpu.dma_semaphore, #tpu.memory_space<semaphore_mem>>) src(%dma_wait3A_22 : memref<632x128xf32, #tpu.memory_space<vmem_shared>>) dst(%dma_wait3A_20 : memref<632x128xf32, #tpu.memory_space<hbm>>)
      tpu.yield
    }) : () -> ()
    return
  }
}

module attributes {stable_mosaic.version = 14 : i64} {
  func.func @_tc1_body(%arg0: i32, %arg1: i32, %arg2: memref<2x1000x128xf32, #tpu.memory_space<vmem>>, %arg3: memref<128x128xf32, #tpu.memory_space<vmem>>, %arg4: memref<1x128xf32, #tpu.memory_space<vmem>>, %arg5: memref<1x1000x128xf32, #tpu.memory_space<vmem>>) attributes {dimension_semantics = [#tpu.dimension_semantics<arbitrary>, #tpu.dimension_semantics<arbitrary>], iteration_bounds = array<i64: 10, 4>, scalar_prefetch = 0 : i64, scratch_operands = 0 : i64, tpu.core_type = #tpu.core_type<tc>, window_params = [{transform_indices = @transform_0, window_bounds = array<i64: 2, 1000, 128>}, {transform_indices = @transform_1, window_bounds = array<i64: 128, 128>}, {transform_indices = @transform_2, window_bounds = array<i64: 1, 128>}, {transform_indices = @transform_3, window_bounds = array<i64: 1, 1000, 128>}]} {
    %get3A = arith.constant 0 : index
    %get3A_0 = arith.constant 0 : index
    %get3A_1 = arith.constant 0 : index
    %get3A_2 = vector.load %arg2[%get3A, %get3A_0, %get3A_1] : memref<2x1000x128xf32, #tpu.memory_space<vmem>>, vector<1x1000x128xf32>
    %get3A_3 = vector.shape_cast %get3A_2 : vector<1x1000x128xf32> to vector<1000x128xf32>
    %get3A_4 = arith.constant 1 : index
    %get3A_5 = arith.constant 0 : index
    %get3A_6 = arith.constant 0 : index
    %get3A_7 = vector.load %arg2[%get3A_4, %get3A_5, %get3A_6] : memref<2x1000x128xf32, #tpu.memory_space<vmem>>, vector<1x1000x128xf32>
    %get3A_8 = vector.shape_cast %get3A_7 : vector<1x1000x128xf32> to vector<1000x128xf32>
    %add3A = arith.addf %get3A_3, %get3A_8 : vector<1000x128xf32>
    %get3A_9 = arith.constant 0 : index
    %get3A_10 = arith.constant 0 : index
    %get3A_11 = vector.load %arg3[%get3A_9, %get3A_10] : memref<128x128xf32, #tpu.memory_space<vmem>>, vector<128x128xf32>
    %dot_general3A = arith.constant dense<0.000000e+00> : vector<1000x128xf32>
    %dot_general3A_12 = tpu.matmul %add3A, %get3A_11, %dot_general3A {dimension_numbers = #tpu.dot_dimension_numbers<[1], [0], [0], [1], [0, 0, 1, 1], [], []>, transpose_lhs_hint = false} : vector<1000x128xf32>, vector<128x128xf32>, vector<1000x128xf32> -> vector<1000x128xf32>
    %get3A_13 = arith.constant 0 : index
    %get3A_14 = arith.constant 0 : index
    %get3A_15 = vector.load %arg4[%get3A_13, %get3A_14] : memref<1x128xf32, #tpu.memory_space<vmem>>, vector<1x128xf32>
    %add3A_16 = vector.broadcast %get3A_15 : vector<1x128xf32> to vector<1000x128xf32>
    %add3A_17 = arith.addf %dot_general3A_12, %add3A_16 : vector<1000x128xf32>
    %max3A = arith.constant 0.000000e+00 : f32
    %max3A_18 = vector.broadcast %max3A : f32 to vector<1000x128xf32>
    %max3A_19 = arith.maximumf %add3A_17, %max3A_18 : vector<1000x128xf32>
    %swap3A = arith.constant 0 : index
    %swap3A_20 = arith.constant 0 : index
    %swap3A_21 = arith.constant 0 : index
    %swap3A_22 = vector.load %arg5[%swap3A, %swap3A_20, %swap3A_21] : memref<1x1000x128xf32, #tpu.memory_space<vmem>>, vector<1x1000x128xf32>
    %swap3A_23 = vector.shape_cast %swap3A_22 : vector<1x1000x128xf32> to vector<1000x128xf32>
    %swap3A_24 = vector.shape_cast %max3A_19 : vector<1000x128xf32> to vector<1x1000x128xf32>
    tpu.vector_store %arg5[%swap3A, %swap3A_20, %swap3A_21], %swap3A_24 {strides = array<i32>} : memref<1x1000x128xf32, #tpu.memory_space<vmem>>, vector<1x1000x128xf32>,
    return
  }
  func.func @transform_0(%arg0: i32, %arg1: i32) -> (i32, i32, i32) {
    %c0_i32 = arith.constant 0 : i32
    %c0_i32_0 = arith.constant 0 : i32
    %c0_i32_1 = arith.constant 0 : i32
    return %c0_i32, %arg0, %c0_i32_0 : i32, i32, i32
  }
  func.func @transform_1(%arg0: i32, %arg1: i32) -> (i32, i32) {
    %c0_i32 = arith.constant 0 : i32
    %c0_i32_0 = arith.constant 0 : i32
    return %c0_i32, %arg1 : i32, i32
  }
  func.func @transform_2(%arg0: i32, %arg1: i32) -> (i32, i32) {
    %c0_i32 = arith.constant 0 : i32
    %c0_i32_0 = arith.constant 0 : i32
    return %c0_i32, %arg1 : i32, i32
  }
  func.func @transform_3(%arg0: i32, %arg1: i32) -> (i32, i32, i32) {
    %c0_i32 = arith.constant 0 : i32
    %c0_i32_0 = arith.constant 0 : i32
    return %arg1, %arg0, %c0_i32 : i32, i32, i32
  }
}

module attributes {stable_mosaic.version = 14 : i64} {
  func.func @_tc2_body(%arg0: i32, %arg1: memref<2x1000x128xf32, #tpu.memory_space<vmem>>, %arg2: memref<2x1000x128xf32, #tpu.memory_space<vmem>>, %arg3: memref<2x1000x128xf32, #tpu.memory_space<vmem>>, %arg4: memref<2x1000x128xf32, #tpu.memory_space<vmem>>, %arg5: memref<512x512xf32, #tpu.memory_space<vmem>>, %arg6: memref<1x512xf32, #tpu.memory_space<vmem>>, %arg7: memref<512x512xf32, #tpu.memory_space<vmem>>, %arg8: memref<1x512xf32, #tpu.memory_space<vmem>>, %arg9: memref<512x512xf32, #tpu.memory_space<vmem>>, %arg10: memref<1x512xf32, #tpu.memory_space<vmem>>, %arg11: memref<512x512xf32, #tpu.memory_space<vmem>>, %arg12: memref<1x512xf32, #tpu.memory_space<vmem>>, %arg13: memref<512x2xf32, #tpu.memory_space<vmem>>, %arg14: memref<1x2xf32, #tpu.memory_space<vmem>>, %arg15: memref<1000x2xf32, #tpu.memory_space<vmem>>) attributes {dimension_semantics = [#tpu.dimension_semantics<arbitrary>], iteration_bounds = array<i64: 10>, scalar_prefetch = 0 : i64, scratch_operands = 0 : i64, tpu.core_type = #tpu.core_type<tc>, window_params = [{transform_indices = @transform_0, window_bounds = array<i64: 2, 1000, 128>}, {transform_indices = @transform_1, window_bounds = array<i64: 2, 1000, 128>}, {transform_indices = @transform_2, window_bounds = array<i64: 2, 1000, 128>}, {transform_indices = @transform_3, window_bounds = array<i64: 2, 1000, 128>}, {pipeline_mode = #tpu.pipeline_mode<synchronous>, transform_indices = @transform_4, window_bounds = array<i64: 512, 512>}, {pipeline_mode = #tpu.pipeline_mode<synchronous>, transform_indices = @transform_5, window_bounds = array<i64: 1, 512>}, {pipeline_mode = #tpu.pipeline_mode<synchronous>, transform_indices = @transform_6, window_bounds = array<i64: 512, 512>}, {pipeline_mode = #tpu.pipeline_mode<synchronous>, transform_indices = @transform_7, window_bounds = array<i64: 1, 512>}, {pipeline_mode = #tpu.pipeline_mode<synchronous>, transform_indices = @transform_8, window_bounds = array<i64: 512, 512>}, {pipeline_mode = #tpu.pipeline_mode<synchronous>, transform_indices = @transform_9, window_bounds = array<i64: 1, 512>}, {pipeline_mode = #tpu.pipeline_mode<synchronous>, transform_indices = @transform_10, window_bounds = array<i64: 512, 512>}, {pipeline_mode = #tpu.pipeline_mode<synchronous>, transform_indices = @transform_11, window_bounds = array<i64: 1, 512>}, {pipeline_mode = #tpu.pipeline_mode<synchronous>, transform_indices = @transform_12, window_bounds = array<i64: 512, 2>}, {pipeline_mode = #tpu.pipeline_mode<synchronous>, transform_indices = @transform_13, window_bounds = array<i64: 1, 2>}, {transform_indices = @transform_14, window_bounds = array<i64: 1000, 2>}]} {
    %get3A = arith.constant 0 : index
    %get3A_0 = arith.constant 0 : index
    %get3A_1 = vector.load %arg6[%get3A, %get3A_0] : memref<1x512xf32, #tpu.memory_space<vmem>>, vector<1x512xf32>
    %broadcast_in_dim3A = vector.shape_cast %get3A_1 : vector<1x512xf32> to vector<1x512xf32>
    %broadcast_in_dim3A_2 = vector.broadcast %broadcast_in_dim3A : vector<1x512xf32> to vector<1000x512xf32>
    %get3A_3 = arith.constant 0 : index
    %get3A_4 = arith.constant 0 : index
    %get3A_5 = arith.constant 0 : index
    %get3A_6 = vector.load %arg1[%get3A_3, %get3A_4, %get3A_5] : memref<2x1000x128xf32, #tpu.memory_space<vmem>>, vector<1x1000x128xf32>
    %get3A_7 = vector.shape_cast %get3A_6 : vector<1x1000x128xf32> to vector<1000x128xf32>
    %get3A_8 = arith.constant 1 : index
    %get3A_9 = arith.constant 0 : index
    %get3A_10 = arith.constant 0 : index
    %get3A_11 = vector.load %arg1[%get3A_8, %get3A_9, %get3A_10] : memref<2x1000x128xf32, #tpu.memory_space<vmem>>, vector<1x1000x128xf32>
    %get3A_12 = vector.shape_cast %get3A_11 : vector<1x1000x128xf32> to vector<1000x128xf32>
    %add3A = arith.addf %get3A_7, %get3A_12 : vector<1000x128xf32>
    %get3A_13 = arith.constant 0 : index
    %get3A_14 = arith.constant 0 : index
    %get3A_15 = vector.load %arg5[%get3A_13, %get3A_14] : memref<512x512xf32, #tpu.memory_space<vmem>>, vector<128x512xf32>
    %dot_general3A = arith.constant dense<0.000000e+00> : vector<1000x512xf32>
    %dot_general3A_16 = tpu.matmul %add3A, %get3A_15, %dot_general3A {dimension_numbers = #tpu.dot_dimension_numbers<[1], [0], [0], [1], [0, 0, 1, 1], [], []>, transpose_lhs_hint = false} : vector<1000x128xf32>, vector<128x512xf32>, vector<1000x512xf32> -> vector<1000x512xf32>
    %add3A_17 = arith.addf %broadcast_in_dim3A_2, %dot_general3A_16 : vector<1000x512xf32>
    %get3A_18 = arith.constant 0 : index
    %get3A_19 = arith.constant 0 : index
    %get3A_20 = arith.constant 0 : index
    %get3A_21 = vector.load %arg2[%get3A_18, %get3A_19, %get3A_20] : memref<2x1000x128xf32, #tpu.memory_space<vmem>>, vector<1x1000x128xf32>
    %get3A_22 = vector.shape_cast %get3A_21 : vector<1x1000x128xf32> to vector<1000x128xf32>
    %get3A_23 = arith.constant 1 : index
    %get3A_24 = arith.constant 0 : index
    %get3A_25 = arith.constant 0 : index
    %get3A_26 = vector.load %arg2[%get3A_23, %get3A_24, %get3A_25] : memref<2x1000x128xf32, #tpu.memory_space<vmem>>, vector<1x1000x128xf32>
    %get3A_27 = vector.shape_cast %get3A_26 : vector<1x1000x128xf32> to vector<1000x128xf32>
    %add3A_28 = arith.addf %get3A_22, %get3A_27 : vector<1000x128xf32>
    %get3A_29 = arith.constant 128 : index
    %get3A_30 = arith.constant 0 : index
    %get3A_31 = vector.load %arg5[%get3A_29, %get3A_30] : memref<512x512xf32, #tpu.memory_space<vmem>>, vector<128x512xf32>
    %dot_general3A_32 = arith.constant dense<0.000000e+00> : vector<1000x512xf32>
    %dot_general3A_33 = tpu.matmul %add3A_28, %get3A_31, %dot_general3A_32 {dimension_numbers = #tpu.dot_dimension_numbers<[1], [0], [0], [1], [0, 0, 1, 1], [], []>, transpose_lhs_hint = false} : vector<1000x128xf32>, vector<128x512xf32>, vector<1000x512xf32> -> vector<1000x512xf32>
    %add3A_34 = arith.addf %add3A_17, %dot_general3A_33 : vector<1000x512xf32>
    %get3A_35 = arith.constant 0 : index
    %get3A_36 = arith.constant 0 : index
    %get3A_37 = arith.constant 0 : index
    %get3A_38 = vector.load %arg3[%get3A_35, %get3A_36, %get3A_37] : memref<2x1000x128xf32, #tpu.memory_space<vmem>>, vector<1x1000x128xf32>
    %get3A_39 = vector.shape_cast %get3A_38 : vector<1x1000x128xf32> to vector<1000x128xf32>
    %get3A_40 = arith.constant 1 : index
    %get3A_41 = arith.constant 0 : index
    %get3A_42 = arith.constant 0 : index
    %get3A_43 = vector.load %arg3[%get3A_40, %get3A_41, %get3A_42] : memref<2x1000x128xf32, #tpu.memory_space<vmem>>, vector<1x1000x128xf32>
    %get3A_44 = vector.shape_cast %get3A_43 : vector<1x1000x128xf32> to vector<1000x128xf32>
    %add3A_45 = arith.addf %get3A_39, %get3A_44 : vector<1000x128xf32>
    %get3A_46 = arith.constant 256 : index
    %get3A_47 = arith.constant 0 : index
    %get3A_48 = vector.load %arg5[%get3A_46, %get3A_47] : memref<512x512xf32, #tpu.memory_space<vmem>>, vector<128x512xf32>
    %dot_general3A_49 = arith.constant dense<0.000000e+00> : vector<1000x512xf32>
    %dot_general3A_50 = tpu.matmul %add3A_45, %get3A_48, %dot_general3A_49 {dimension_numbers = #tpu.dot_dimension_numbers<[1], [0], [0], [1], [0, 0, 1, 1], [], []>, transpose_lhs_hint = false} : vector<1000x128xf32>, vector<128x512xf32>, vector<1000x512xf32> -> vector<1000x512xf32>
    %add3A_51 = arith.addf %add3A_34, %dot_general3A_50 : vector<1000x512xf32>
    %get3A_52 = arith.constant 0 : index
    %get3A_53 = arith.constant 0 : index
    %get3A_54 = arith.constant 0 : index
    %get3A_55 = vector.load %arg4[%get3A_52, %get3A_53, %get3A_54] : memref<2x1000x128xf32, #tpu.memory_space<vmem>>, vector<1x1000x128xf32>
    %get3A_56 = vector.shape_cast %get3A_55 : vector<1x1000x128xf32> to vector<1000x128xf32>
    %get3A_57 = arith.constant 1 : index
    %get3A_58 = arith.constant 0 : index
    %get3A_59 = arith.constant 0 : index
    %get3A_60 = vector.load %arg4[%get3A_57, %get3A_58, %get3A_59] : memref<2x1000x128xf32, #tpu.memory_space<vmem>>, vector<1x1000x128xf32>
    %get3A_61 = vector.shape_cast %get3A_60 : vector<1x1000x128xf32> to vector<1000x128xf32>
    %add3A_62 = arith.addf %get3A_56, %get3A_61 : vector<1000x128xf32>
    %get3A_63 = arith.constant 384 : index
    %get3A_64 = arith.constant 0 : index
    %get3A_65 = vector.load %arg5[%get3A_63, %get3A_64] : memref<512x512xf32, #tpu.memory_space<vmem>>, vector<128x512xf32>
    %dot_general3A_66 = arith.constant dense<0.000000e+00> : vector<1000x512xf32>
    %dot_general3A_67 = tpu.matmul %add3A_62, %get3A_65, %dot_general3A_66 {dimension_numbers = #tpu.dot_dimension_numbers<[1], [0], [0], [1], [0, 0, 1, 1], [], []>, transpose_lhs_hint = false} : vector<1000x128xf32>, vector<128x512xf32>, vector<1000x512xf32> -> vector<1000x512xf32>
    %add3A_68 = arith.addf %add3A_51, %dot_general3A_67 : vector<1000x512xf32>
    %max3A = arith.constant 0.000000e+00 : f32
    %max3A_69 = vector.broadcast %max3A : f32 to vector<1000x512xf32>
    %max3A_70 = arith.maximumf %add3A_68, %max3A_69 : vector<1000x512xf32>
    %get3A_71 = arith.constant 0 : index
    %get3A_72 = arith.constant 0 : index
    %get3A_73 = vector.load %arg7[%get3A_71, %get3A_72] : memref<512x512xf32, #tpu.memory_space<vmem>>, vector<512x512xf32>
    %dot_general3A_74 = arith.constant dense<0.000000e+00> : vector<1000x512xf32>
    %dot_general3A_75 = tpu.matmul %max3A_70, %get3A_73, %dot_general3A_74 {dimension_numbers = #tpu.dot_dimension_numbers<[1], [0], [0], [1], [0, 0, 1, 1], [], []>, transpose_lhs_hint = false} : vector<1000x512xf32>, vector<512x512xf32>, vector<1000x512xf32> -> vector<1000x512xf32>
    %get3A_76 = arith.constant 0 : index
    %get3A_77 = arith.constant 0 : index
    %get3A_78 = vector.load %arg8[%get3A_76, %get3A_77] : memref<1x512xf32, #tpu.memory_space<vmem>>, vector<1x512xf32>
    %add3A_79 = vector.broadcast %get3A_78 : vector<1x512xf32> to vector<1000x512xf32>
    %add3A_80 = arith.addf %dot_general3A_75, %add3A_79 : vector<1000x512xf32>
    %max3A_81 = arith.constant 0.000000e+00 : f32
    %max3A_82 = vector.broadcast %max3A_81 : f32 to vector<1000x512xf32>
    %max3A_83 = arith.maximumf %add3A_80, %max3A_82 : vector<1000x512xf32>
    %get3A_84 = arith.constant 0 : index
    %get3A_85 = arith.constant 0 : index
    %get3A_86 = vector.load %arg9[%get3A_84, %get3A_85] : memref<512x512xf32, #tpu.memory_space<vmem>>, vector<512x512xf32>
    %dot_general3A_87 = arith.constant dense<0.000000e+00> : vector<1000x512xf32>
    %dot_general3A_88 = tpu.matmul %max3A_83, %get3A_86, %dot_general3A_87 {dimension_numbers = #tpu.dot_dimension_numbers<[1], [0], [0], [1], [0, 0, 1, 1], [], []>, transpose_lhs_hint = false} : vector<1000x512xf32>, vector<512x512xf32>, vector<1000x512xf32> -> vector<1000x512xf32>
    %get3A_89 = arith.constant 0 : index
    %get3A_90 = arith.constant 0 : index
    %get3A_91 = vector.load %arg10[%get3A_89, %get3A_90] : memref<1x512xf32, #tpu.memory_space<vmem>>, vector<1x512xf32>
    %add3A_92 = vector.broadcast %get3A_91 : vector<1x512xf32> to vector<1000x512xf32>
    %add3A_93 = arith.addf %dot_general3A_88, %add3A_92 : vector<1000x512xf32>
    %max3A_94 = arith.constant 0.000000e+00 : f32
    %max3A_95 = vector.broadcast %max3A_94 : f32 to vector<1000x512xf32>
    %max3A_96 = arith.maximumf %add3A_93, %max3A_95 : vector<1000x512xf32>
    %get3A_97 = arith.constant 0 : index
    %get3A_98 = arith.constant 0 : index
    %get3A_99 = vector.load %arg11[%get3A_97, %get3A_98] : memref<512x512xf32, #tpu.memory_space<vmem>>, vector<512x512xf32>
    %dot_general3A_100 = arith.constant dense<0.000000e+00> : vector<1000x512xf32>
    %dot_general3A_101 = tpu.matmul %max3A_96, %get3A_99, %dot_general3A_100 {dimension_numbers = #tpu.dot_dimension_numbers<[1], [0], [0], [1], [0, 0, 1, 1], [], []>, transpose_lhs_hint = false} : vector<1000x512xf32>, vector<512x512xf32>, vector<1000x512xf32> -> vector<1000x512xf32>
    %get3A_102 = arith.constant 0 : index
    %get3A_103 = arith.constant 0 : index
    %get3A_104 = vector.load %arg12[%get3A_102, %get3A_103] : memref<1x512xf32, #tpu.memory_space<vmem>>, vector<1x512xf32>
    %add3A_105 = vector.broadcast %get3A_104 : vector<1x512xf32> to vector<1000x512xf32>
    %add3A_106 = arith.addf %dot_general3A_101, %add3A_105 : vector<1000x512xf32>
    %max3A_107 = arith.constant 0.000000e+00 : f32
    %max3A_108 = vector.broadcast %max3A_107 : f32 to vector<1000x512xf32>
    %max3A_109 = arith.maximumf %add3A_106, %max3A_108 : vector<1000x512xf32>
    %get3A_110 = arith.constant 0 : index
    %get3A_111 = arith.constant 0 : index
    %get3A_112 = vector.load %arg13[%get3A_110, %get3A_111] : memref<512x2xf32, #tpu.memory_space<vmem>>, vector<512x2xf32>
    %dot_general3A_113 = arith.constant dense<0.000000e+00> : vector<1000x2xf32>
    %dot_general3A_114 = tpu.matmul %max3A_109, %get3A_112, %dot_general3A_113 {dimension_numbers = #tpu.dot_dimension_numbers<[1], [0], [0], [1], [0, 0, 1, 1], [], []>, transpose_lhs_hint = false} : vector<1000x512xf32>, vector<512x2xf32>, vector<1000x2xf32> -> vector<1000x2xf32>
    %get3A_115 = arith.constant 0 : index
    %get3A_116 = arith.constant 0 : index
    %get3A_117 = vector.load %arg14[%get3A_115, %get3A_116] : memref<1x2xf32, #tpu.memory_space<vmem>>, vector<1x2xf32>
    %add3A_118 = vector.broadcast %get3A_117 : vector<1x2xf32> to vector<1000x2xf32>
    %add3A_119 = arith.addf %dot_general3A_114, %add3A_118 : vector<1000x2xf32>
    %swap3A = arith.constant 0 : index
    %swap3A_120 = arith.constant 0 : index
    %swap3A_121 = vector.load %arg15[%swap3A, %swap3A_120] : memref<1000x2xf32, #tpu.memory_space<vmem>>, vector<1000x2xf32>
    tpu.vector_store %arg15[%swap3A, %swap3A_120], %add3A_119 {strides = array<i32>} : memref<1000x2xf32, #tpu.memory_space<vmem>>, vector<1000x2xf32>,
    return
  }
  func.func @transform_0(%arg0: i32) -> (i32, i32, i32) {
    %c0_i32 = arith.constant 0 : i32
    %c0_i32_0 = arith.constant 0 : i32
    %c0_i32_1 = arith.constant 0 : i32
    return %c0_i32, %arg0, %c0_i32_0 : i32, i32, i32
  }
  func.func @transform_1(%arg0: i32) -> (i32, i32, i32) {
    %c0_i32 = arith.constant 0 : i32
    %c0_i32_0 = arith.constant 0 : i32
    %c0_i32_1 = arith.constant 0 : i32
    return %c0_i32, %arg0, %c0_i32_0 : i32, i32, i32
  }
  func.func @transform_2(%arg0: i32) -> (i32, i32, i32) {
    %c0_i32 = arith.constant 0 : i32
    %c0_i32_0 = arith.constant 0 : i32
    %c0_i32_1 = arith.constant 0 : i32
    return %c0_i32, %arg0, %c0_i32_0 : i32, i32, i32
  }
  func.func @transform_3(%arg0: i32) -> (i32, i32, i32) {
    %c0_i32 = arith.constant 0 : i32
    %c0_i32_0 = arith.constant 0 : i32
    %c0_i32_1 = arith.constant 0 : i32
    return %c0_i32, %arg0, %c0_i32_0 : i32, i32, i32
  }
  func.func @transform_4(%arg0: i32) -> (i32, i32) {
    %c0_i32 = arith.constant 0 : i32
    %c0_i32_0 = arith.constant 0 : i32
    %c0_i32_1 = arith.constant 0 : i32
    return %c0_i32, %c0_i32_0 : i32, i32
  }
  func.func @transform_5(%arg0: i32) -> (i32, i32) {
    %c0_i32 = arith.constant 0 : i32
    %c0_i32_0 = arith.constant 0 : i32
    %c0_i32_1 = arith.constant 0 : i32
    return %c0_i32, %c0_i32_0 : i32, i32
  }
  func.func @transform_6(%arg0: i32) -> (i32, i32) {
    %c0_i32 = arith.constant 0 : i32
    %c0_i32_0 = arith.constant 0 : i32
    %c0_i32_1 = arith.constant 0 : i32
    return %c0_i32, %c0_i32_0 : i32, i32
  }
  func.func @transform_7(%arg0: i32) -> (i32, i32) {
    %c0_i32 = arith.constant 0 : i32
    %c0_i32_0 = arith.constant 0 : i32
    %c0_i32_1 = arith.constant 0 : i32
    return %c0_i32, %c0_i32_0 : i32, i32
  }
  func.func @transform_8(%arg0: i32) -> (i32, i32) {
    %c0_i32 = arith.constant 0 : i32
    %c0_i32_0 = arith.constant 0 : i32
    %c0_i32_1 = arith.constant 0 : i32
    return %c0_i32, %c0_i32_0 : i32, i32
  }
  func.func @transform_9(%arg0: i32) -> (i32, i32) {
    %c0_i32 = arith.constant 0 : i32
    %c0_i32_0 = arith.constant 0 : i32
    %c0_i32_1 = arith.constant 0 : i32
    return %c0_i32, %c0_i32_0 : i32, i32
  }
  func.func @transform_10(%arg0: i32) -> (i32, i32) {
    %c0_i32 = arith.constant 0 : i32
    %c0_i32_0 = arith.constant 0 : i32
    %c0_i32_1 = arith.constant 0 : i32
    return %c0_i32, %c0_i32_0 : i32, i32
  }
  func.func @transform_11(%arg0: i32) -> (i32, i32) {
    %c0_i32 = arith.constant 0 : i32
    %c0_i32_0 = arith.constant 0 : i32
    %c0_i32_1 = arith.constant 0 : i32
    return %c0_i32, %c0_i32_0 : i32, i32
  }
  func.func @transform_12(%arg0: i32) -> (i32, i32) {
    %c0_i32 = arith.constant 0 : i32
    %c0_i32_0 = arith.constant 0 : i32
    %c0_i32_1 = arith.constant 0 : i32
    return %c0_i32, %c0_i32_0 : i32, i32
  }
  func.func @transform_13(%arg0: i32) -> (i32, i32) {
    %c0_i32 = arith.constant 0 : i32
    %c0_i32_0 = arith.constant 0 : i32
    %c0_i32_1 = arith.constant 0 : i32
    return %c0_i32, %c0_i32_0 : i32, i32
  }
  func.func @transform_14(%arg0: i32) -> (i32, i32) {
    %c0_i32 = arith.constant 0 : i32
    %c0_i32_0 = arith.constant 0 : i32
    return %arg0, %c0_i32 : i32, i32
  }
}

</mosaic_0001>

<sc_bundles>
// kernel: kernel.6.cloned.1.call-start
scs
__scs_entry_jumppad:
0x0: {  	(pc) =	sbr.rel $0x88, $3  }
0x1: {  	(tag) =	ssettag $0x0;
	lr =	simm.s32 $0x1  }
0x2: {  	[smem:$0x3F93] =	sst lr;
	_ =	strace $0xD0000000  }
0x3: {  	_ = 	snop  }
0x4: {  	_ = 	snop  }
0x5: {  	_ = 	snop  }
0x6: {  	_ = 	snop  }
0x7: {  	_ = 	snop  }
__scs_overlays_trampoline_lowered:
0x8: {  	[smem:$0x3FA2] =	sst s0  }
0x9: {  	[smem:$0x3FA3] =	sst s1  }
0xa: {  	[smem:$0x3FA4] =	sst s2  }
0xb: {  	[smem:$0x3FA5] =	sst s3  }
0xc: {  	[smem:$0x3FA6] =	sst s4  }
0xd: {  	[smem:$0x3FA7] =	sst s5  }
0xe: {  	[smem:$0x3FA8] =	sst s6  }
0xf: {  	[smem:$0x3FA9] =	sst s7  }
0x10: {  	[smem:$0x3FAA] =	sst s8  }
0x11: {  	[smem:$0x3FAB] =	sst s9;
	s0 =	simm.s32 @!p0 $0x0  }
0x12: {  	s1 =	sld [smem:$0x3F91];
	s0 =	simm.s32 @p0 $0x1  }
0x13: {  	[smem:$0x3FAC] =	sst s0;
	s0 =	simm.s32 @!p1 $0x0  }
0x14: {  	s2 =	sld [smem:$0x3F90];
	s0 =	simm.s32 @p1 $0x1  }
0x15: {  	[smem:$0x3FAD] =	sst s0;
	s0 =	simm.s32 @!p2 $0x0  }
0x16: {  	s3 =	sld [smem:$0x3FDB];
	s0 =	simm.s32 @p2 $0x1  }
0x17: {  	s4 =	simm.s32 $0x1BF5;
	[smem:$0x3FAF] =	sst s0  }
0x18: {  	s0 =	sld [smem:$0x3F92];
	_ =	swait.ge [sflag:s4], $0x0  }
0x19: {  	s7 =	sld [smem:$0x3F93]  }
0x1a: {  	s8 =	sadd.s32 $0xFFFFE003, lr  }
0x1b: {  	s9 =	sadd.s32 $0xFFFFFEF7, lr;
	s5 =	simm.s32 $0xFFFFFFFF;
	p2 =	slt.u32 s8, $0xFFFFF086  }
0x1c: {  	p1 =	slt.u32 s9, $0xF7A;
	s5 =	simm.s32 @!p2 $0x0  }
0x1d: {  	s5 =	simm.s32 @p1 $0x1;
	p0 =	seq.s32 s7, s2  }
0x1e: {  	s7 =	smul.u32 @!p0 $0xF7A, s2;
	p2 =	seq.s32 @!p0 s5, $0x0  }
0x1f: {  	s9 =	smul.u32 $0xF7A, s1;
	s8 =	simm.s32 @!p0 $0x1BF5;
	p2 =	por !p2, p0  }
0x20: {  	[sflag:s8] =	ssyncset.s32 @!p0 $0xFFFFF086;
	s6 =	sadd.s32 @!p0 s3, s7;
	s7 =	simm.s32 @!p0 $0x108  }
0x21: {  	s3 =	sadd.s32 s3, s9;
	s6 =	sadd.s32 @!p0 $0x88, s6;
	s7 =	simm.s32 @p2 $0x1082  }
0x22: {  	[simem:s7], [sflag:s8] =	dma.local @!p0 [hbm:s6], $0xF7A  }
0x23: {  	s9 =	sor.u32 $0xD0000000, s2;
	s6 =	simm.s32 $0x108;
	_ =	swait.ge @!p0 [sflag:s8], $0x0  }
0x24: {  	s3 =	sadd.s32 $0x88, s3;
	s6 =	simm.s32 @!p1 $0x1082;
	[sflag:s4] =	ssyncset.s32 $0xFFFFF086  }
0x25: {  	[simem:s6], [sflag:s4] =	dma.local [hbm:s3], $0xF7A  }
0x26: {  	[smem:$0x3F93] =	sst s1;
	(tag) =	ssettag s2;
	_ =	strace s9  }
0x27: {  	s1 =	sld [smem:$0x3FA3]  }
0x28: {  	s2 =	sld [smem:$0x3FA4]  }
0x29: {  	s4 =	sld [smem:$0x3FA6]  }
0x2a: {  	p0 =	seq.s32 s5, $0x0;
	s5 =	sld [smem:$0x3FA7]  }
0x2b: {  	s6 =	sld [smem:$0x3FA8]  }
0x2c: {  	s7 =	sld [smem:$0x3FA9]  }
0x2d: {  	s3 =	simm.s32 $0x108;
	s8 =	sld [smem:$0x3FAA]  }
0x2e: {  	s3 =	simm.s32 @!p0 $0x1082;
	s9 =	sld [smem:$0x3FAB]  }
0x2f: {  	lr =	sadd.s32 s0, s3;
	s0 =	sld [smem:$0x3FA2]  }
0x30: {  	s3 =	sld [smem:$0x3FA5]  }
0x31: {  	[smem:$0x3FAE] =	sst s10  }
0x32: {  	s10 =	sld [smem:$0x3FAC];
	_ =	sdelay $0x3  }
0x33: {  	p0 =	seq.s32 s10, $0x1;
	s10 =	sld [smem:$0x3FAE];
	_ =	sdelay $0x3  }
0x34: {  	[smem:$0x3FAE] =	sst s10  }
0x35: {  	s10 =	sld [smem:$0x3FAD];
	_ =	sdelay $0x3  }
0x36: {  	p1 =	seq.s32 s10, $0x1;
	s10 =	sld [smem:$0x3FAE];
	_ =	sdelay $0x3  }
0x37: {  	[smem:$0x3FAE] =	sst s10  }
0x38: {  	s10 =	sld [smem:$0x3FAF]  }
0x39: {  	_ = 	snop;
	(pc) =	sbr.ind lr, $3  }
0x3a: {  	_ = 	snop  }
0x3b: {  	_ = 	snop  }
0x3c: {  	p2 =	seq.s32 s10, $0x1;
	s10 =	sld [smem:$0x3FAE]  }
0x3d: {  	_ =	shalt  }
0x3e: {  	_ =	shalt  }
0x3f: {  	_ =	shalt  }
0x40: {  	_ =	shalt  }
0x41: {  	_ =	shalt  }
0x42: {  	_ =	shalt  }
0x43: {  	_ =	shalt  }
0x44: {  	_ =	shalt  }
0x45: {  	_ =	shalt  }
0x46: {  	_ =	shalt  }
0x47: {  	_ =	shalt  }
0x48: {  	_ =	shalt  }
0x49: {  	_ =	shalt  }
0x4a: {  	_ =	shalt  }
0x4b: {  	_ =	shalt  }
0x4c: {  	_ =	shalt  }
0x4d: {  	_ =	shalt  }
0x4e: {  	_ =	shalt  }
0x4f: {  	_ =	shalt  }
0x50: {  	_ =	shalt  }
0x51: {  	_ =	shalt  }
0x52: {  	_ =	shalt  }
0x53: {  	_ =	shalt  }
0x54: {  	_ =	shalt  }
0x55: {  	_ =	shalt  }
0x56: {  	_ =	shalt  }
0x57: {  	_ =	shalt  }
0x58: {  	_ =	shalt  }
0x59: {  	_ =	shalt  }
0x5a: {  	_ =	shalt  }
0x5b: {  	_ =	shalt  }
0x5c: {  	_ =	shalt  }
0x5d: {  	_ =	shalt  }
0x5e: {  	_ =	shalt  }
0x5f: {  	_ =	shalt  }
0x60: {  	_ =	shalt  }
0x61: {  	_ =	shalt  }
0x62: {  	_ =	shalt  }
0x63: {  	_ =	shalt  }
0x64: {  	_ =	shalt  }
0x65: {  	_ =	shalt  }
0x66: {  	_ =	shalt  }
0x67: {  	_ =	shalt  }
0x68: {  	_ =	shalt  }
0x69: {  	_ =	shalt  }
0x6a: {  	_ =	shalt  }
0x6b: {  	_ =	shalt  }
0x6c: {  	_ =	shalt  }
0x6d: {  	_ =	shalt  }
0x6e: {  	_ =	shalt  }
0x6f: {  	_ =	shalt  }
0x70: {  	_ =	shalt  }
0x71: {  	_ =	shalt  }
0x72: {  	_ =	shalt  }
0x73: {  	_ =	shalt  }
0x74: {  	_ =	shalt  }
0x75: {  	_ =	shalt  }
0x76: {  	_ =	shalt  }
0x77: {  	_ =	shalt  }
0x78: {  	_ =	shalt  }
0x79: {  	_ =	shalt  }
0x7a: {  	_ =	shalt  }
0x7b: {  	_ =	shalt  }
0x7c: {  	_ =	shalt  }
0x7d: {  	_ =	shalt  }
0x7e: {  	_ =	shalt  }
0x7f: {  	_ =	shalt  }
0x80: {  	_ =	shalt  }
0x81: {  	_ =	shalt  }
0x82: {  	_ =	shalt  }
0x83: {  	_ =	shalt  }
0x84: {  	_ =	shalt  }
0x85: {  	_ =	shalt  }
0x86: {  	_ =	shalt  }
0x87: {  	_ =	shalt  }
.Lfunc_end0:
.L_simem_size_0:
called_computation_lowered:
.L_overlay_start_0:
0x88: {  	s2 =	sld [smem:$0x3FD9]  }
0x89: {  	s3 =	sld [smem:$0x3FFE];
	_ =	sdelay $0x1  }
0x8a: {  	s1 =	srdreg.scid  }
0x8b: {  	s0 =	sand.u32 $0x1, s1  }
0x8c: {  	s17 =	sshll.u32 s0, $0xA;
	s2 =	sadd.s32 s3, s2  }
0x8d: {  	s2 =	sadd.s32 s2, s17  }
0x8e: {  	[smem:$0x3FBA] =	sst s2  }
0x8f: {  	_ = 	snop  }
0x90: {  	s2 =	sld [smem:$0x3FC9];
	(tm) =	ssettm $0x1  }
0x91: {  	s18 =	sld [smem:$0x3FFB];
	_ =	sdelay $0x3  }
0x92: {  	_ =	strace s18  }
0x93: {  	s3 =	sld [smem:$0x3FFC];
	_ =	sdelay $0x3  }
0x94: {  	_ =	strace s3  }
0x95: {  	s3 =	sld [smem:$0x3FFD];
	_ =	sdelay $0x3  }
0x96: {  	_ =	strace s3  }
0x97: {  	_ =	strace $0x8FFFFFFF  }
0x98: {  	s19 =	sld [smem:$0x3FDB];
	_ =	sdelay $0x1  }
0x99: {  	s4 =	simm.s32 $_scs_section_size  }
0x9a: {  	s5 =	simm.s32 $_size__tile_overlayer_lowered;
	s6 =	simm.s32 $_tile_overlayer_lowered  }
0x9b: {  	s22 =	simm.s32 $0x1BFF;
	s21 =	sshll.u32 s6, $0x1;
	s3 =	sadd.s32 s4, s19  }
0x9c: {  	s7 =	simm.s32 $0x0;
	s20 =	sshll.u32 s5, $0x1;
	s5 =	sadd.s32 s21, s3  }
0x9d: {  	[timem:s7], [sflag:s22] =	dma.local [hbm:s5], s20  }
0x9e: {  	_ =	swait.ge [sflag:s22], s20  }
0x9f: {  	s4 =	ssub.s32 $0x0, s20;
	[sflag:s22] =	ssyncset.done $0x0  }
0xa0: {  	[sflag:s22] =	ssyncadd.s32 s4;
	_ =	sdelay $0x1  }
0xa1: {  	s23 =	simm.s32 $0x1B8B  }
0xa2: {  	_ =	swait.ge [sflag:s23], $0x1  }
0xa3: {  	[sflag:s23] =	ssyncset.done $0x0  }
0xa4: {  	s25 =	simm.s32 $0x1B8E;
	s24 =	sld [smem:$0x3FFE];
	[sflag:s23] =	ssyncadd.s32 $0xFFFFFFFF  }
0xa5: {  	s26 =	simm.s32 $execute0_lowered;
	[smem:$0x3FD2] =	sst s25  }
0xa6: {  	s5 =	sshll.u32 s26, $0x1;
	_ =	strace $0x80000046;
	[dreg:$0x1] =	wrdreg $0xFFFFFFFF  }
0xa7: {  	s28 =	simm.s32 $_size_execute0_lowered;
	s3 =	sadd.s32 s3, s5;
	[dreg:$0x0] =	wrdreg $0x0  }
0xa8: {  	s5 =	sshll.u32 s28, $0x1;
	[dreg:$0x2] =	wrdreg s3  }
0xa9: {  	[dreg:$0x3] =	wrdreg s5  }
0xaa: {  	[dreg:$0x4] =	wrdreg $0xC0  }
0xab: {  	_ =	task [dreg:s7], $0x5FFFF  }
0xac: {  	[dreg:$0x1] =	wrdreg $0xFFFFFFFF  }
0xad: {  	[dreg:$0x0] =	wrdreg $0x60  }
0xae: {  	[dreg:$0x2] =	wrdreg s24  }
0xaf: {  	[dreg:$0x3] =	wrdreg s2  }
0xb0: {  	[dreg:$0x4] =	wrdreg $0x90000  }
0xb1: {  	[dreg:$0x5] =	wrdreg $0x9  }
0xb2: {  	_ =	task.clear_ibuf [dreg:s7], $0x6FFFF;
	_ =	strace $0x90000046  }
0xb3: {  	s29 =	simm.s32 $0x9;
	_ =	strace $0x80000048  }
0xb4: {  	_ =	swait.ge [sflag:s29], $0x1  }
0xb5: {  	[sflag:s29] =	ssyncadd.s32 $0xFFFFFFFF  }
0xb6: {  	_ =	strace $0x90000048  }
0xb7: {  	_ =	sfence  }
0xb8: {  	s30 =	sld [smem:$0x0];
	_ =	sdelay $0x2  }
0xb9: {  	s31 =	sshll.u32 s1, $0xD;
	s1 =	sshrl.u32 s1, $0x2  }
0xba: {  	s3 =	sand.u32 $0x4000, s31;
	s1 =	sadd.s32 s1, s30  }
0xbb: {  	s0 =	sor.u32 s3, s0;
	s1 =	sshll.u32 s1, $0x11  }
0xbc: {  	s0 =	sor.u32 s1, s0  }
0xbd: {  	s0 =	sadd.s32 $0x8F2B, s0  }
0xbe: {  	[sflag:s0] =	ssyncadd.remote.s32 $0x1  }
0xbf: {  	_ =	sfence.sel $0xFFFF  }
0xc0: {  	[dreg:$0x0] =	wrdreg $0xFFFFFFFF;
	(pc) =	sbr.abs _section_cstart, $3  }
0xc1: {  	[dreg:$0x1] =	wrdreg $0xFFFFFFFF  }
0xc2: {  	_ =	task.clear_ibuf [dreg:s7], $0x2FFFF;
	_ =	strace $0x9FFFFFFF  }
0xc3: {  	(tm) =	ssettm $0x7FFFFFFF  }
tec
execute0_lowered:
.L_overlay_start_1:
0x0: {  	(tag) =	ssettag $0x1  }
0x1: {  	s6 =	rddreg [dreg:$0x0]  }
0x2: {  	s2 =	rddreg [dreg:$0x1]  }
0x3: {  	s0 =	srdreg.scid;
	s3 =	rddreg [dreg:$0x2];
	s4 =	simm.s32 $0x0  }
0x4: {  	s14 =	simm.s32 $0x80;
	s5 =	sand.u32 $0x1, s0;
	s0 =	stileid.u32  }
0x5: {  	s15 =	simm.s32 $0x5000;
	s16 =	simm.s32 $0x1;
	s8 =	smul.u32 $0x13C00, s0  }
0x6: {  	s17 =	simm.s32 $0x0;
	[smem:$0x7FF] =	sst s4;
	s9 =	smul.u32 $0x13C000, s5  }
0x7: {  	s1 =	sshll.u32 s5, $0x4;
	s5 =	ssub.s32 $0x2, s5;
	s31 =	smul.u32 $0x4F000, s0  }
0x8: {  	s12 =	sshll.u32 s0, $0x6;
	s1 =	sor.u32 s0, s1;
	s11 =	sshrl.u32 s5, $0x1  }
0x9: {  	s12 =	sor.u32 $0x1C02, s12;
	s7 =	smul.u32 $0x500, s1;
	s1 =	rddreg [dreg:$0x3]  }
0xa: {  	_ =	strace $0x80000047;
	s10 =	sshrl.u32 s8, $0x3;
	s8 =	sadd.s32 s8, s9  }
0xb: {  	s11 =	ssub.s32 s5, s11;
	s9 =	sshrl.u32 s31, $0x2;
	s10 =	sadd.s32 s10, s6  }
0xc: {  	s8 =	sshrl.u32 s8, $0x3;
	s13 =	sadd.s32 s9, s3;
	s9 =	smax.u32 s11, $0x1  }
0xd: {  	s11 =	simm.s32 $0x2800;
	s7 =	sadd.s32 s7, s6;
	s8 =	sadd.s32 s8, s6  }
0xe: {  	s13 =	sshrl.u32 s13, $0x3;
	s5 =	sadd.s32 $0xC200, s7;
	s6 =	sadd.s32 $0x2200, s7  }
0xf: {  	s7 =	sadd.s32 $0x16200, s10;
	s8 =	sadd.s32 $0x3DA00, s8;
	s10 =	simm.s32 $0x2  }
.LBB2_1:
0x10: {  	[tilespmem:s4], [sflag:$0x2] =	stream.linear.gather [hbm4b:s5+s4], $0x2780, $0x38;
	[tilespmem:$0x1CC00] =	vst v63  }
0x11: {  	_ =	swait.ge [sflag:s10], $0x2780  }
0x12: {  	[sflag:s10] =	ssyncset.done $0x0  }
0x13: {  	[sflag:s10] =	ssyncadd.s32 $0xFFFFD880  }
0x14: {  	[tilespmem:s11], [sflag:$0x2] =	stream.linear.gather [hbm4b:s6+s4], $0x2780, $0x38;
	[tilespmem:$0x1CC00] =	vst v63  }
0x15: {  	_ =	swait.ge [sflag:s10], $0x2780  }
0x16: {  	[sflag:s10] =	ssyncset.done $0x0  }
0x17: {  	[sflag:s10] =	ssyncadd.s32 $0xFFFFD880  }
0x18: {  	[spmem:s13], [sflag:s12] =	dma.local [hbm:s7], $0x2780  }
0x19: {  	_ =	swait.ge [sflag:s10], $0x2780  }
0x1a: {  	[sflag:s10] =	ssyncset.done $0x0  }
0x1b: {  	[sflag:s10] =	ssyncadd.s32 $0xFFFFD880  }
0x1c: {  	s18 =	simm.s32 $0x0;
	[bflag:$0x0] =	sbarrier.arrive $0xFFFF  }
0x1d: {  	[tilespmem:s15], [sflag:$0x1] =	stream.indirect.gather [hbm4b:s2+s14], $0x80, s18, s14, $0xb8;
	[tilespmem:$0x1CC00] =	vst v63  }
0x1e: {  	_ =	swait.ge [sflag:s16], $0x4000  }
0x1f: {  	[sflag:s16] =	ssyncset.done $0x0  }
0x20: {  	s31 =	simm.s32 $0x2800;
	[sflag:s16] =	ssyncadd.s32 $0xFFFFC000  }
0x21: {  	[spmem:s3] =	stream.indirect.scatter.add.f32 [tilespmem:s15], [sflag:$0x2], $0x80, s31, s14, $0xb8;
	[tilespmem:$0x1CC00] =	vst v63  }
0x22: {  	_ =	swait.ge [sflag:s10], $0x4000  }
0x23: {  	s19 =	simm.s32 $0x400;
	s18 =	simm.s32 $0x200;
	[sflag:s10] =	ssyncset.done $0x0  }
.LBB2_2:
0x24: {  	s20 =	sshra.s32 s18, $0x2  }
0x25: {  	[sflag:s10] =	ssyncadd.s32 $0xFFFFC000;
	s18 =	smov.u32 s19;
	s21 =	sadd.s32 $0x200, s19  }
0x26: {  	[tilespmem:s15], [sflag:$0x1] =	stream.indirect.gather [hbm4b:s2+s14], $0x80, s20, s14, $0xb8;
	[tilespmem:$0x1CC00] =	vst v63  }
0x27: {  	p0 =	sne.s32 s19, $0x9C00;
	_ =	swait.ge [sflag:s16], $0x4000  }
.Ltmp0:
0x28: {  	[sflag:s16] =	ssyncset.done $0x0;
	(pc) =	sbr.rel @p0 .LBB2_2-.Ltmp0, $4  }
0x29: {  	s19 =	sadd.s32 $0x2800, s20;
	[sflag:s16] =	ssyncadd.s32 $0xFFFFC000  }
0x2a: {  	[spmem:s3] =	stream.indirect.scatter.add.f32 [tilespmem:s15], [sflag:$0x2], $0x80, s19, s14, $0xb8;
	[tilespmem:$0x1CC00] =	vst v63  }
0x2b: {  	_ =	swait.ge [sflag:s10], $0x4000  }
0x2c: {  	s19 =	smov.u32 s21;
	[sflag:s10] =	ssyncset.done $0x0  }
0x2d: {  	s18 =	sshra.s32 s18, $0x2;
	[sflag:s10] =	ssyncadd.s32 $0xFFFFC000  }
0x2e: {  	[tilespmem:s15], [sflag:$0x1] =	stream.indirect.gather [hbm4b:s2+s14], $0x80, s18, s14, $0xb8;
	[tilespmem:$0x1CC00] =	vst v63  }
0x2f: {  	_ =	swait.ge [sflag:s16], $0x4000  }
0x30: {  	[sflag:s16] =	ssyncset.done $0x0  }
0x31: {  	s18 =	sadd.s32 $0x2800, s18;
	[sflag:s16] =	ssyncadd.s32 $0xFFFFC000  }
0x32: {  	[spmem:s3] =	stream.indirect.scatter.add.f32 [tilespmem:s15], [sflag:$0x2], $0x80, s18, s14, $0xb8;
	[tilespmem:$0x1CC00] =	vst v63  }
0x33: {  	_ =	swait.ge [sflag:s10], $0x4000  }
0x34: {  	s17 =	sadd.s32 $0x1, s17;
	[sflag:s10] =	ssyncset.done $0x0  }
0x35: {  	p0 =	sne.s32 s17, s9;
	[sflag:s10] =	ssyncadd.s32 $0xFFFFC000  }
.Ltmp1:
0x36: {  	[bflag:$0x0] =	sbarrier.arrive $0xFFFF;
	(pc) =	sbr.rel @p0 .LBB2_1-.Ltmp1, $4  }
0x37: {  	[hbm:s8], [sflag:s12] =	dma.local [spmem:s13], $0x2780  }
0x38: {  	_ =	swait.ge [sflag:s10], $0x2780  }
0x39: {  	[sflag:s10] =	ssyncset.done $0x0  }
0x3a: {  	[sflag:s10] =	ssyncadd.s32 $0xFFFFD880  }
0x3b: {  	_ =	sfence.sel $0x180000  }
0x3c: {  	[bflag:$0x0] =	sbarrier.arrive $0xFFFF  }
0x3d: {  	p0 =	sne.s32 s0, $0x0;
	_ =	strace $0x90000047  }
0x3e: {  	s0 =	sadd.s32 @!p0 $0x100000, s1;
	[bflag:$0x2] =	sbarrier.arrive $0xFFFF  }
0x3f: {  	[sflag:s0] =	ssyncadd.tile.s32 @!p0 $0x1;
	_ =	shalt  }
.Lfunc_end2:
_tile_overlayer_lowered:
.L_overlay_start_2:
0x40: {  	(tag) =	ssettag $0x2  }
0x41: {  	s0 =	rddreg [dreg:$0x0];
	s2 =	stileid.u32  }
0x42: {  	s1 =	rddreg [dreg:$0x1];
	p0 =	sne.s32 s2, $0x0  }
0x43: {  	s3 =	rddreg [dreg:$0x2];
	[bflag:$0x3] =	sbarrier.arrive $0xFFFF;
	s2 =	simm.s32 @!p0 $0x1C02  }
0x44: {  	[timem:s3], [sflag:s2] =	dma.local @!p0 [hbm:s0], s1  }
0x45: {  	s0 =	simm.s32 @!p0 $0x2  }
0x46: {  	_ =	swait.ge @!p0 [sflag:s0], s1  }
0x47: {  	s1 =	ssub.s32 @!p0 $0x0, s1;
	[sflag:s0] =	ssyncset.done @!p0 $0x0  }
0x48: {  	[sflag:s0] =	ssyncadd.s32 @!p0 s1  }
0x49: {  	[bflag:$0x3] =	sbarrier.arrive $0xFFFF  }
0x4a: {  	_ =	shalt  }

// kernel: kernel.9.cloned.1.call-start
scs
__scs_entry_jumppad:
0x0: {  	(pc) =	sbr.rel $0x88, $3  }
0x1: {  	(tag) =	ssettag $0x0;
	lr =	simm.s32 $0x1  }
0x2: {  	[smem:$0x3F93] =	sst lr;
	_ =	strace $0xD0000000  }
0x3: {  	_ = 	snop  }
0x4: {  	_ = 	snop  }
0x5: {  	_ = 	snop  }
0x6: {  	_ = 	snop  }
0x7: {  	_ = 	snop  }
__scs_overlays_trampoline_lowered:
0x8: {  	[smem:$0x3FA2] =	sst s0  }
0x9: {  	[smem:$0x3FA3] =	sst s1  }
0xa: {  	[smem:$0x3FA4] =	sst s2  }
0xb: {  	[smem:$0x3FA5] =	sst s3  }
0xc: {  	[smem:$0x3FA6] =	sst s4  }
0xd: {  	[smem:$0x3FA7] =	sst s5  }
0xe: {  	[smem:$0x3FA8] =	sst s6  }
0xf: {  	[smem:$0x3FA9] =	sst s7  }
0x10: {  	[smem:$0x3FAA] =	sst s8  }
0x11: {  	[smem:$0x3FAB] =	sst s9;
	s0 =	simm.s32 @!p0 $0x0  }
0x12: {  	s1 =	sld [smem:$0x3F91];
	s0 =	simm.s32 @p0 $0x1  }
0x13: {  	[smem:$0x3FAC] =	sst s0;
	s0 =	simm.s32 @!p1 $0x0  }
0x14: {  	s2 =	sld [smem:$0x3F90];
	s0 =	simm.s32 @p1 $0x1  }
0x15: {  	[smem:$0x3FAD] =	sst s0;
	s0 =	simm.s32 @!p2 $0x0  }
0x16: {  	s3 =	sld [smem:$0x3FDB];
	s0 =	simm.s32 @p2 $0x1  }
0x17: {  	s4 =	simm.s32 $0x1BF5;
	[smem:$0x3FAF] =	sst s0  }
0x18: {  	s0 =	sld [smem:$0x3F92];
	_ =	swait.ge [sflag:s4], $0x0  }
0x19: {  	s7 =	sld [smem:$0x3F93]  }
0x1a: {  	s8 =	sadd.s32 $0xFFFFE003, lr  }
0x1b: {  	s9 =	sadd.s32 $0xFFFFFEF7, lr;
	s5 =	simm.s32 $0xFFFFFFFF;
	p2 =	slt.u32 s8, $0xFFFFF086  }
0x1c: {  	p1 =	slt.u32 s9, $0xF7A;
	s5 =	simm.s32 @!p2 $0x0  }
0x1d: {  	s5 =	simm.s32 @p1 $0x1;
	p0 =	seq.s32 s7, s2  }
0x1e: {  	s7 =	smul.u32 @!p0 $0xF7A, s2;
	p2 =	seq.s32 @!p0 s5, $0x0  }
0x1f: {  	s9 =	smul.u32 $0xF7A, s1;
	s8 =	simm.s32 @!p0 $0x1BF5;
	p2 =	por !p2, p0  }
0x20: {  	[sflag:s8] =	ssyncset.s32 @!p0 $0xFFFFF086;
	s6 =	sadd.s32 @!p0 s3, s7;
	s7 =	simm.s32 @!p0 $0x108  }
0x21: {  	s3 =	sadd.s32 s3, s9;
	s6 =	sadd.s32 @!p0 $0x88, s6;
	s7 =	simm.s32 @p2 $0x1082  }
0x22: {  	[simem:s7], [sflag:s8] =	dma.local @!p0 [hbm:s6], $0xF7A  }
0x23: {  	s9 =	sor.u32 $0xD0000000, s2;
	s6 =	simm.s32 $0x108;
	_ =	swait.ge @!p0 [sflag:s8], $0x0  }
0x24: {  	s3 =	sadd.s32 $0x88, s3;
	s6 =	simm.s32 @!p1 $0x1082;
	[sflag:s4] =	ssyncset.s32 $0xFFFFF086  }
0x25: {  	[simem:s6], [sflag:s4] =	dma.local [hbm:s3], $0xF7A  }
0x26: {  	[smem:$0x3F93] =	sst s1;
	(tag) =	ssettag s2;
	_ =	strace s9  }
0x27: {  	s1 =	sld [smem:$0x3FA3]  }
0x28: {  	s2 =	sld [smem:$0x3FA4]  }
0x29: {  	s4 =	sld [smem:$0x3FA6]  }
0x2a: {  	p0 =	seq.s32 s5, $0x0;
	s5 =	sld [smem:$0x3FA7]  }
0x2b: {  	s6 =	sld [smem:$0x3FA8]  }
0x2c: {  	s7 =	sld [smem:$0x3FA9]  }
0x2d: {  	s3 =	simm.s32 $0x108;
	s8 =	sld [smem:$0x3FAA]  }
0x2e: {  	s3 =	simm.s32 @!p0 $0x1082;
	s9 =	sld [smem:$0x3FAB]  }
0x2f: {  	lr =	sadd.s32 s0, s3;
	s0 =	sld [smem:$0x3FA2]  }
0x30: {  	s3 =	sld [smem:$0x3FA5]  }
0x31: {  	[smem:$0x3FAE] =	sst s10  }
0x32: {  	s10 =	sld [smem:$0x3FAC];
	_ =	sdelay $0x3  }
0x33: {  	p0 =	seq.s32 s10, $0x1;
	s10 =	sld [smem:$0x3FAE];
	_ =	sdelay $0x3  }
0x34: {  	[smem:$0x3FAE] =	sst s10  }
0x35: {  	s10 =	sld [smem:$0x3FAD];
	_ =	sdelay $0x3  }
0x36: {  	p1 =	seq.s32 s10, $0x1;
	s10 =	sld [smem:$0x3FAE];
	_ =	sdelay $0x3  }
0x37: {  	[smem:$0x3FAE] =	sst s10  }
0x38: {  	s10 =	sld [smem:$0x3FAF]  }
0x39: {  	_ = 	snop;
	(pc) =	sbr.ind lr, $3  }
0x3a: {  	_ = 	snop  }
0x3b: {  	_ = 	snop  }
0x3c: {  	p2 =	seq.s32 s10, $0x1;
	s10 =	sld [smem:$0x3FAE]  }
0x3d: {  	_ =	shalt  }
0x3e: {  	_ =	shalt  }
0x3f: {  	_ =	shalt  }
0x40: {  	_ =	shalt  }
0x41: {  	_ =	shalt  }
0x42: {  	_ =	shalt  }
0x43: {  	_ =	shalt  }
0x44: {  	_ =	shalt  }
0x45: {  	_ =	shalt  }
0x46: {  	_ =	shalt  }
0x47: {  	_ =	shalt  }
0x48: {  	_ =	shalt  }
0x49: {  	_ =	shalt  }
0x4a: {  	_ =	shalt  }
0x4b: {  	_ =	shalt  }
0x4c: {  	_ =	shalt  }
0x4d: {  	_ =	shalt  }
0x4e: {  	_ =	shalt  }
0x4f: {  	_ =	shalt  }
0x50: {  	_ =	shalt  }
0x51: {  	_ =	shalt  }
0x52: {  	_ =	shalt  }
0x53: {  	_ =	shalt  }
0x54: {  	_ =	shalt  }
0x55: {  	_ =	shalt  }
0x56: {  	_ =	shalt  }
0x57: {  	_ =	shalt  }
0x58: {  	_ =	shalt  }
0x59: {  	_ =	shalt  }
0x5a: {  	_ =	shalt  }
0x5b: {  	_ =	shalt  }
0x5c: {  	_ =	shalt  }
0x5d: {  	_ =	shalt  }
0x5e: {  	_ =	shalt  }
0x5f: {  	_ =	shalt  }
0x60: {  	_ =	shalt  }
0x61: {  	_ =	shalt  }
0x62: {  	_ =	shalt  }
0x63: {  	_ =	shalt  }
0x64: {  	_ =	shalt  }
0x65: {  	_ =	shalt  }
0x66: {  	_ =	shalt  }
0x67: {  	_ =	shalt  }
0x68: {  	_ =	shalt  }
0x69: {  	_ =	shalt  }
0x6a: {  	_ =	shalt  }
0x6b: {  	_ =	shalt  }
0x6c: {  	_ =	shalt  }
0x6d: {  	_ =	shalt  }
0x6e: {  	_ =	shalt  }
0x6f: {  	_ =	shalt  }
0x70: {  	_ =	shalt  }
0x71: {  	_ =	shalt  }
0x72: {  	_ =	shalt  }
0x73: {  	_ =	shalt  }
0x74: {  	_ =	shalt  }
0x75: {  	_ =	shalt  }
0x76: {  	_ =	shalt  }
0x77: {  	_ =	shalt  }
0x78: {  	_ =	shalt  }
0x79: {  	_ =	shalt  }
0x7a: {  	_ =	shalt  }
0x7b: {  	_ =	shalt  }
0x7c: {  	_ =	shalt  }
0x7d: {  	_ =	shalt  }
0x7e: {  	_ =	shalt  }
0x7f: {  	_ =	shalt  }
0x80: {  	_ =	shalt  }
0x81: {  	_ =	shalt  }
0x82: {  	_ =	shalt  }
0x83: {  	_ =	shalt  }
0x84: {  	_ =	shalt  }
0x85: {  	_ =	shalt  }
0x86: {  	_ =	shalt  }
0x87: {  	_ =	shalt  }
.Lfunc_end0:
.L_simem_size_0:
called_computation.1_lowered:
.L_overlay_start_0:
0x88: {  	s2 =	sld [smem:$0x3FD9]  }
0x89: {  	s3 =	sld [smem:$0x3FFE];
	_ =	sdelay $0x1  }
0x8a: {  	s1 =	srdreg.scid  }
0x8b: {  	s0 =	sand.u32 $0x1, s1  }
0x8c: {  	s16 =	sshll.u32 s0, $0xA;
	s2 =	sadd.s32 s3, s2  }
0x8d: {  	s2 =	sadd.s32 s2, s16  }
0x8e: {  	[smem:$0x3FBA] =	sst s2  }
0x8f: {  	_ = 	snop  }
0x90: {  	(tm) =	ssettm $0x1  }
0x91: {  	s17 =	sld [smem:$0x3FFB];
	_ =	sdelay $0x3  }
0x92: {  	_ =	strace s17  }
0x93: {  	s2 =	sld [smem:$0x3FFC];
	_ =	sdelay $0x3  }
0x94: {  	_ =	strace s2  }
0x95: {  	s2 =	sld [smem:$0x3FFD];
	_ =	sdelay $0x3  }
0x96: {  	_ =	strace s2  }
0x97: {  	_ =	strace $0x8FFFFFFF  }
0x98: {  	s18 =	sld [smem:$0x3FDB];
	_ =	sdelay $0x1  }
0x99: {  	s19 =	simm.s32 $_scs_section_size  }
0x9a: {  	s4 =	simm.s32 $_size__tile_overlayer_lowered;
	s5 =	simm.s32 $_tile_overlayer_lowered  }
0x9b: {  	s22 =	simm.s32 $0x1BFF;
	s21 =	sshll.u32 s5, $0x1;
	s2 =	sadd.s32 s19, s18  }
0x9c: {  	s6 =	simm.s32 $0x0;
	s20 =	sshll.u32 s4, $0x1;
	s4 =	sadd.s32 s21, s2  }
0x9d: {  	[timem:s6], [sflag:s22] =	dma.local [hbm:s4], s20  }
0x9e: {  	_ =	swait.ge [sflag:s22], s20  }
0x9f: {  	s3 =	ssub.s32 $0x0, s20;
	[sflag:s22] =	ssyncset.done $0x0  }
0xa0: {  	[sflag:s22] =	ssyncadd.s32 s3;
	_ =	sdelay $0x1  }
0xa1: {  	s23 =	simm.s32 $0x1B8B  }
0xa2: {  	_ =	swait.ge [sflag:s23], $0x1  }
0xa3: {  	[sflag:s23] =	ssyncset.done $0x0  }
0xa4: {  	s25 =	simm.s32 $0x1B8E;
	s24 =	sld [smem:$0x3FFE];
	[sflag:s23] =	ssyncadd.s32 $0xFFFFFFFF  }
0xa5: {  	s26 =	simm.s32 $execute0_lowered;
	[smem:$0x3FD2] =	sst s25  }
0xa6: {  	s4 =	sshll.u32 s26, $0x1;
	_ =	strace $0x80000049;
	[dreg:$0x1] =	wrdreg $0xFFFFFFFF  }
0xa7: {  	s28 =	simm.s32 $_size_execute0_lowered;
	s2 =	sadd.s32 s2, s4;
	[dreg:$0x0] =	wrdreg $0x0  }
0xa8: {  	s4 =	sshll.u32 s28, $0x1;
	[dreg:$0x2] =	wrdreg s2  }
0xa9: {  	[dreg:$0x3] =	wrdreg s4  }
0xaa: {  	[dreg:$0x4] =	wrdreg $0xC0  }
0xab: {  	_ =	task [dreg:s6], $0x5FFFF  }
0xac: {  	[dreg:$0x1] =	wrdreg $0xFFFFFFFF  }
0xad: {  	[dreg:$0x0] =	wrdreg $0x60  }
0xae: {  	[dreg:$0x2] =	wrdreg s24  }
0xaf: {  	[dreg:$0x3] =	wrdreg $0x90000  }
0xb0: {  	[dreg:$0x4] =	wrdreg $0x9  }
0xb1: {  	_ =	task.clear_ibuf [dreg:s6], $0x5FFFF;
	_ =	strace $0x90000049  }
0xb2: {  	s29 =	simm.s32 $0x9;
	_ =	strace $0x8000004B  }
0xb3: {  	_ =	swait.ge [sflag:s29], $0x1  }
0xb4: {  	[sflag:s29] =	ssyncadd.s32 $0xFFFFFFFF  }
0xb5: {  	_ =	strace $0x9000004B  }
0xb6: {  	_ =	sfence  }
0xb7: {  	s30 =	sld [smem:$0x0];
	_ =	sdelay $0x2  }
0xb8: {  	s31 =	sshll.u32 s1, $0xD;
	s1 =	sshrl.u32 s1, $0x2  }
0xb9: {  	s3 =	sand.u32 $0x4000, s31;
	s1 =	sadd.s32 s1, s30  }
0xba: {  	s0 =	sor.u32 s3, s0;
	s1 =	sshll.u32 s1, $0x11  }
0xbb: {  	s0 =	sor.u32 s1, s0  }
0xbc: {  	s0 =	sadd.s32 $0x8F2B, s0  }
0xbd: {  	[sflag:s0] =	ssyncadd.remote.s32 $0x1  }
0xbe: {  	_ =	sfence.sel $0xFFFF  }
0xbf: {  	[dreg:$0x0] =	wrdreg $0xFFFFFFFF;
	(pc) =	sbr.abs _section_cstart, $3  }
0xc0: {  	[dreg:$0x1] =	wrdreg $0xFFFFFFFF  }
0xc1: {  	_ =	task.clear_ibuf [dreg:s6], $0x2FFFF;
	_ =	strace $0x9FFFFFFF  }
0xc2: {  	(tm) =	ssettm $0x7FFFFFFF  }
0xc3: {  	_ =	shalt  }
tec
execute0_lowered:
.L_overlay_start_1:
0x0: {  	(tag) =	ssettag $0x1  }
0x1: {  	s0 =	srdreg.scid;
	s8 =	rddreg [dreg:$0x0]  }
0x2: {  	s2 =	rddreg [dreg:$0x1];
	s3 =	simm.s32 $0x0;
	s17 =	simm.s32 $0x2800  }
0x3: {  	s20 =	simm.s32 $0x80;
	s21 =	simm.s32 $0x5000;
	s22 =	simm.s32 $0x1  }
0x4: {  	s23 =	simm.s32 $0x0;
	s7 =	sand.u32 $0x1, s0;
	s0 =	stileid.u32  }
0x5: {  	[smem:$0x7FF] =	sst s3;
	s6 =	sadd.s32 $0x101000, s8;
	s9 =	smul.u32 $0x13C00, s0  }
0x6: {  	s1 =	sshll.u32 s7, $0x4;
	s11 =	smul.u32 $0x13C000, s7;
	s30 =	ssub.s32 $0x2, s7  }
0x7: {  	s13 =	smul.u32 $0x4F000, s0;
	s7 =	sadd.s32 $0xD9E00, s8;
	s18 =	sshll.u32 s0, $0x6  }
0x8: {  	s4 =	sor.u32 s0, s1;
	s1 =	rddreg [dreg:$0x2];
	_ =	strace $0x8000004A  }
0x9: {  	s14 =	sshrl.u32 s30, $0x1;
	s18 =	sor.u32 $0x1C02, s18;
	s4 =	smul.u32 $0x500, s4  }
0xa: {  	s5 =	sshrl.u32 s9, $0x3;
	s9 =	sadd.s32 s9, s11;
	s16 =	ssub.s32 s30, s14  }
0xb: {  	s31 =	sshrl.u32 s13, $0x2;
	s12 =	sadd.s32 s5, s8;
	s5 =	sadd.s32 $0x128200, s8  }
0xc: {  	s9 =	sshrl.u32 s9, $0x3;
	s19 =	sadd.s32 s31, s2;
	s10 =	sadd.s32 s4, s8  }
0xd: {  	s4 =	sadd.s32 $0x14F400, s8;
	s15 =	sadd.s32 s9, s8;
	s8 =	sadd.s32 $0xC200, s10  }
0xe: {  	s9 =	sadd.s32 $0x2200, s10;
	s10 =	sadd.s32 $0x16200, s12;
	s11 =	sadd.s32 $0x3DA00, s15  }
0xf: {  	s19 =	sshrl.u32 s19, $0x3;
	s12 =	sadd.s32 $0x176600, s15;
	s13 =	sadd.s32 $0x1C5600, s15  }
0x10: {  	s14 =	sadd.s32 $0x214600, s15;
	s15 =	smax.u32 s16, $0x1;
	s16 =	simm.s32 $0x2  }
.LBB2_1:
0x11: {  	[tilespmem:s3], [sflag:$0x2] =	stream.linear.gather [hbm4b:s8+s3], $0x2780, $0x38;
	[tilespmem:$0x1CC00] =	vst v63  }
0x12: {  	_ =	swait.ge [sflag:s16], $0x2780  }
0x13: {  	[sflag:s16] =	ssyncset.done $0x0  }
0x14: {  	[sflag:s16] =	ssyncadd.s32 $0xFFFFD880  }
0x15: {  	[tilespmem:s17], [sflag:$0x2] =	stream.linear.gather [hbm4b:s9+s3], $0x2780, $0x38;
	[tilespmem:$0x1CC00] =	vst v63  }
0x16: {  	_ =	swait.ge [sflag:s16], $0x2780  }
0x17: {  	[sflag:s16] =	ssyncset.done $0x0  }
0x18: {  	[sflag:s16] =	ssyncadd.s32 $0xFFFFD880  }
0x19: {  	[spmem:s19], [sflag:s18] =	dma.local [hbm:s10], $0x2780  }
0x1a: {  	_ =	swait.ge [sflag:s16], $0x2780  }
0x1b: {  	[sflag:s16] =	ssyncset.done $0x0  }
0x1c: {  	[sflag:s16] =	ssyncadd.s32 $0xFFFFD880  }
0x1d: {  	s24 =	simm.s32 $0x0;
	[bflag:$0x0] =	sbarrier.arrive $0xFFFF  }
0x1e: {  	[tilespmem:s21], [sflag:$0x1] =	stream.indirect.gather [hbm4b:s4+s20], $0x80, s24, s20, $0xb8;
	[tilespmem:$0x1CC00] =	vst v63  }
0x1f: {  	_ =	swait.ge [sflag:s22], $0x4000  }
0x20: {  	[sflag:s22] =	ssyncset.done $0x0  }
0x21: {  	s31 =	simm.s32 $0x2800;
	[sflag:s22] =	ssyncadd.s32 $0xFFFFC000  }
0x22: {  	[spmem:s2] =	stream.indirect.scatter.add.f32 [tilespmem:s21], [sflag:$0x2], $0x80, s31, s20, $0xb8;
	[tilespmem:$0x1CC00] =	vst v63  }
0x23: {  	_ =	swait.ge [sflag:s16], $0x4000  }
0x24: {  	s25 =	simm.s32 $0x400;
	s24 =	simm.s32 $0x200;
	[sflag:s16] =	ssyncset.done $0x0  }
.LBB2_2:
0x25: {  	s26 =	sshra.s32 s24, $0x2  }
0x26: {  	[sflag:s16] =	ssyncadd.s32 $0xFFFFC000;
	s24 =	smov.u32 s25;
	s28 =	sadd.s32 $0x200, s25  }
0x27: {  	[tilespmem:s21], [sflag:$0x1] =	stream.indirect.gather [hbm4b:s4+s20], $0x80, s26, s20, $0xb8;
	[tilespmem:$0x1CC00] =	vst v63  }
0x28: {  	p0 =	sne.s32 s25, $0x9C00;
	_ =	swait.ge [sflag:s22], $0x4000  }
.Ltmp0:
0x29: {  	[sflag:s22] =	ssyncset.done $0x0;
	(pc) =	sbr.rel @p0 .LBB2_2-.Ltmp0, $4  }
0x2a: {  	s25 =	sadd.s32 $0x2800, s26;
	[sflag:s22] =	ssyncadd.s32 $0xFFFFC000  }
0x2b: {  	[spmem:s2] =	stream.indirect.scatter.add.f32 [tilespmem:s21], [sflag:$0x2], $0x80, s25, s20, $0xb8;
	[tilespmem:$0x1CC00] =	vst v63  }
0x2c: {  	_ =	swait.ge [sflag:s16], $0x4000  }
0x2d: {  	s25 =	smov.u32 s28;
	[sflag:s16] =	ssyncset.done $0x0  }
0x2e: {  	s24 =	sshra.s32 s24, $0x2;
	[sflag:s16] =	ssyncadd.s32 $0xFFFFC000  }
0x2f: {  	[tilespmem:s21], [sflag:$0x1] =	stream.indirect.gather [hbm4b:s4+s20], $0x80, s24, s20, $0xb8;
	[tilespmem:$0x1CC00] =	vst v63  }
0x30: {  	_ =	swait.ge [sflag:s22], $0x4000  }
0x31: {  	[sflag:s22] =	ssyncset.done $0x0  }
0x32: {  	s24 =	sadd.s32 $0x2800, s24;
	[sflag:s22] =	ssyncadd.s32 $0xFFFFC000  }
0x33: {  	[spmem:s2] =	stream.indirect.scatter.add.f32 [tilespmem:s21], [sflag:$0x2], $0x80, s24, s20, $0xb8;
	[tilespmem:$0x1CC00] =	vst v63  }
0x34: {  	_ =	swait.ge [sflag:s16], $0x4000  }
0x35: {  	[sflag:s16] =	ssyncset.done $0x0  }
0x36: {  	[sflag:s16] =	ssyncadd.s32 $0xFFFFC000  }
0x37: {  	[bflag:$0x0] =	sbarrier.arrive $0xFFFF  }
0x38: {  	[hbm:s11], [sflag:s18] =	dma.local [spmem:s19], $0x2780  }
0x39: {  	_ =	swait.ge [sflag:s16], $0x2780  }
0x3a: {  	[sflag:s16] =	ssyncset.done $0x0  }
0x3b: {  	[sflag:s16] =	ssyncadd.s32 $0xFFFFD880  }
0x3c: {  	[spmem:s19], [sflag:s18] =	dma.local [hbm:s10], $0x2780  }
0x3d: {  	_ =	swait.ge [sflag:s16], $0x2780  }
0x3e: {  	[sflag:s16] =	ssyncset.done $0x0  }
0x3f: {  	[sflag:s16] =	ssyncadd.s32 $0xFFFFD880  }
0x40: {  	s30 =	simm.s32 $0x0;
	[bflag:$0x0] =	sbarrier.arrive $0xFFFF  }
0x41: {  	[tilespmem:s21], [sflag:$0x1] =	stream.indirect.gather [hbm4b:s5+s20], $0x80, s30, s20, $0xb8;
	[tilespmem:$0x1CC00] =	vst v63  }
0x42: {  	_ =	swait.ge [sflag:s22], $0x4000  }
0x43: {  	[sflag:s22] =	ssyncset.done $0x0  }
0x44: {  	s31 =	simm.s32 $0x2800;
	[sflag:s22] =	ssyncadd.s32 $0xFFFFC000  }
0x45: {  	[spmem:s2] =	stream.indirect.scatter.add.f32 [tilespmem:s21], [sflag:$0x2], $0x80, s31, s20, $0xb8;
	[tilespmem:$0x1CC00] =	vst v63  }
0x46: {  	_ =	swait.ge [sflag:s16], $0x4000  }
0x47: {  	s25 =	simm.s32 $0x400;
	s24 =	simm.s32 $0x200;
	[sflag:s16] =	ssyncset.done $0x0  }
.LBB2_4:
0x48: {  	s26 =	sshra.s32 s24, $0x2  }
0x49: {  	[sflag:s16] =	ssyncadd.s32 $0xFFFFC000;
	s24 =	smov.u32 s25;
	s28 =	sadd.s32 $0x200, s25  }
0x4a: {  	[tilespmem:s21], [sflag:$0x1] =	stream.indirect.gather [hbm4b:s5+s20], $0x80, s26, s20, $0xb8;
	[tilespmem:$0x1CC00] =	vst v63  }
0x4b: {  	p0 =	sne.s32 s25, $0x9C00;
	_ =	swait.ge [sflag:s22], $0x4000  }
.Ltmp1:
0x4c: {  	[sflag:s22] =	ssyncset.done $0x0;
	(pc) =	sbr.rel @p0 .LBB2_4-.Ltmp1, $4  }
0x4d: {  	s25 =	sadd.s32 $0x2800, s26;
	[sflag:s22] =	ssyncadd.s32 $0xFFFFC000  }
0x4e: {  	[spmem:s2] =	stream.indirect.scatter.add.f32 [tilespmem:s21], [sflag:$0x2], $0x80, s25, s20, $0xb8;
	[tilespmem:$0x1CC00] =	vst v63  }
0x4f: {  	_ =	swait.ge [sflag:s16], $0x4000  }
0x50: {  	s25 =	smov.u32 s28;
	[sflag:s16] =	ssyncset.done $0x0  }
0x51: {  	s24 =	sshra.s32 s24, $0x2;
	[sflag:s16] =	ssyncadd.s32 $0xFFFFC000  }
0x52: {  	[tilespmem:s21], [sflag:$0x1] =	stream.indirect.gather [hbm4b:s5+s20], $0x80, s24, s20, $0xb8;
	[tilespmem:$0x1CC00] =	vst v63  }
0x53: {  	_ =	swait.ge [sflag:s22], $0x4000  }
0x54: {  	[sflag:s22] =	ssyncset.done $0x0  }
0x55: {  	s24 =	sadd.s32 $0x2800, s24;
	[sflag:s22] =	ssyncadd.s32 $0xFFFFC000  }
0x56: {  	[spmem:s2] =	stream.indirect.scatter.add.f32 [tilespmem:s21], [sflag:$0x2], $0x80, s24, s20, $0xb8;
	[tilespmem:$0x1CC00] =	vst v63  }
0x57: {  	_ =	swait.ge [sflag:s16], $0x4000  }
0x58: {  	[sflag:s16] =	ssyncset.done $0x0  }
0x59: {  	[sflag:s16] =	ssyncadd.s32 $0xFFFFC000  }
0x5a: {  	[bflag:$0x0] =	sbarrier.arrive $0xFFFF  }
0x5b: {  	[hbm:s12], [sflag:s18] =	dma.local [spmem:s19], $0x2780  }
0x5c: {  	_ =	swait.ge [sflag:s16], $0x2780  }
0x5d: {  	[sflag:s16] =	ssyncset.done $0x0  }
0x5e: {  	[sflag:s16] =	ssyncadd.s32 $0xFFFFD880  }
0x5f: {  	[spmem:s19], [sflag:s18] =	dma.local [hbm:s10], $0x2780  }
0x60: {  	_ =	swait.ge [sflag:s16], $0x2780  }
0x61: {  	[sflag:s16] =	ssyncset.done $0x0  }
0x62: {  	[sflag:s16] =	ssyncadd.s32 $0xFFFFD880  }
0x63: {  	s30 =	simm.s32 $0x0;
	[bflag:$0x0] =	sbarrier.arrive $0xFFFF  }
0x64: {  	[tilespmem:s21], [sflag:$0x1] =	stream.indirect.gather [hbm4b:s6+s20], $0x80, s30, s20, $0xb8;
	[tilespmem:$0x1CC00] =	vst v63  }
0x65: {  	_ =	swait.ge [sflag:s22], $0x4000  }
0x66: {  	[sflag:s22] =	ssyncset.done $0x0  }
0x67: {  	s31 =	simm.s32 $0x2800;
	[sflag:s22] =	ssyncadd.s32 $0xFFFFC000  }
0x68: {  	[spmem:s2] =	stream.indirect.scatter.add.f32 [tilespmem:s21], [sflag:$0x2], $0x80, s31, s20, $0xb8;
	[tilespmem:$0x1CC00] =	vst v63  }
0x69: {  	_ =	swait.ge [sflag:s16], $0x4000  }
0x6a: {  	s25 =	simm.s32 $0x400;
	s24 =	simm.s32 $0x200;
	[sflag:s16] =	ssyncset.done $0x0  }
.LBB2_6:
0x6b: {  	s26 =	sshra.s32 s24, $0x2  }
0x6c: {  	[sflag:s16] =	ssyncadd.s32 $0xFFFFC000;
	s24 =	smov.u32 s25;
	s28 =	sadd.s32 $0x200, s25  }
0x6d: {  	[tilespmem:s21], [sflag:$0x1] =	stream.indirect.gather [hbm4b:s6+s20], $0x80, s26, s20, $0xb8;
	[tilespmem:$0x1CC00] =	vst v63  }
0x6e: {  	p0 =	sne.s32 s25, $0x9C00;
	_ =	swait.ge [sflag:s22], $0x4000  }
.Ltmp2:
0x6f: {  	[sflag:s22] =	ssyncset.done $0x0;
	(pc) =	sbr.rel @p0 .LBB2_6-.Ltmp2, $4  }
0x70: {  	s25 =	sadd.s32 $0x2800, s26;
	[sflag:s22] =	ssyncadd.s32 $0xFFFFC000  }
0x71: {  	[spmem:s2] =	stream.indirect.scatter.add.f32 [tilespmem:s21], [sflag:$0x2], $0x80, s25, s20, $0xb8;
	[tilespmem:$0x1CC00] =	vst v63  }
0x72: {  	_ =	swait.ge [sflag:s16], $0x4000  }
0x73: {  	s25 =	smov.u32 s28;
	[sflag:s16] =	ssyncset.done $0x0  }
0x74: {  	s24 =	sshra.s32 s24, $0x2;
	[sflag:s16] =	ssyncadd.s32 $0xFFFFC000  }
0x75: {  	[tilespmem:s21], [sflag:$0x1] =	stream.indirect.gather [hbm4b:s6+s20], $0x80, s24, s20, $0xb8;
	[tilespmem:$0x1CC00] =	vst v63  }
0x76: {  	_ =	swait.ge [sflag:s22], $0x4000  }
0x77: {  	[sflag:s22] =	ssyncset.done $0x0  }
0x78: {  	s24 =	sadd.s32 $0x2800, s24;
	[sflag:s22] =	ssyncadd.s32 $0xFFFFC000  }
0x79: {  	[spmem:s2] =	stream.indirect.scatter.add.f32 [tilespmem:s21], [sflag:$0x2], $0x80, s24, s20, $0xb8;
	[tilespmem:$0x1CC00] =	vst v63  }
0x7a: {  	_ =	swait.ge [sflag:s16], $0x4000  }
0x7b: {  	[sflag:s16] =	ssyncset.done $0x0  }
0x7c: {  	[sflag:s16] =	ssyncadd.s32 $0xFFFFC000  }
0x7d: {  	[bflag:$0x0] =	sbarrier.arrive $0xFFFF  }
0x7e: {  	[hbm:s13], [sflag:s18] =	dma.local [spmem:s19], $0x2780  }
0x7f: {  	_ =	swait.ge [sflag:s16], $0x2780  }
0x80: {  	[sflag:s16] =	ssyncset.done $0x0  }
0x81: {  	[sflag:s16] =	ssyncadd.s32 $0xFFFFD880  }
0x82: {  	[spmem:s19], [sflag:s18] =	dma.local [hbm:s10], $0x2780  }
0x83: {  	_ =	swait.ge [sflag:s16], $0x2780  }
0x84: {  	[sflag:s16] =	ssyncset.done $0x0  }
0x85: {  	[sflag:s16] =	ssyncadd.s32 $0xFFFFD880  }
0x86: {  	s30 =	simm.s32 $0x0;
	[bflag:$0x0] =	sbarrier.arrive $0xFFFF  }
0x87: {  	[tilespmem:s21], [sflag:$0x1] =	stream.indirect.gather [hbm4b:s7+s20], $0x80, s30, s20, $0xb8;
	[tilespmem:$0x1CC00] =	vst v63  }
0x88: {  	_ =	swait.ge [sflag:s22], $0x4000  }
0x89: {  	[sflag:s22] =	ssyncset.done $0x0  }
0x8a: {  	s31 =	simm.s32 $0x2800;
	[sflag:s22] =	ssyncadd.s32 $0xFFFFC000  }
0x8b: {  	[spmem:s2] =	stream.indirect.scatter.add.f32 [tilespmem:s21], [sflag:$0x2], $0x80, s31, s20, $0xb8;
	[tilespmem:$0x1CC00] =	vst v63  }
0x8c: {  	_ =	swait.ge [sflag:s16], $0x4000  }
0x8d: {  	s25 =	simm.s32 $0x400;
	s24 =	simm.s32 $0x200;
	[sflag:s16] =	ssyncset.done $0x0  }
.LBB2_8:
0x8e: {  	s26 =	sshra.s32 s24, $0x2  }
0x8f: {  	[sflag:s16] =	ssyncadd.s32 $0xFFFFC000;
	s24 =	smov.u32 s25;
	s28 =	sadd.s32 $0x200, s25  }
0x90: {  	[tilespmem:s21], [sflag:$0x1] =	stream.indirect.gather [hbm4b:s7+s20], $0x80, s26, s20, $0xb8;
	[tilespmem:$0x1CC00] =	vst v63  }
0x91: {  	p0 =	sne.s32 s25, $0x9C00;
	_ =	swait.ge [sflag:s22], $0x4000  }
.Ltmp3:
0x92: {  	[sflag:s22] =	ssyncset.done $0x0;
	(pc) =	sbr.rel @p0 .LBB2_8-.Ltmp3, $4  }
0x93: {  	s25 =	sadd.s32 $0x2800, s26;
	[sflag:s22] =	ssyncadd.s32 $0xFFFFC000  }
0x94: {  	[spmem:s2] =	stream.indirect.scatter.add.f32 [tilespmem:s21], [sflag:$0x2], $0x80, s25, s20, $0xb8;
	[tilespmem:$0x1CC00] =	vst v63  }
0x95: {  	_ =	swait.ge [sflag:s16], $0x4000  }
0x96: {  	s25 =	smov.u32 s28;
	[sflag:s16] =	ssyncset.done $0x0  }
0x97: {  	s24 =	sshra.s32 s24, $0x2;
	[sflag:s16] =	ssyncadd.s32 $0xFFFFC000  }
0x98: {  	[tilespmem:s21], [sflag:$0x1] =	stream.indirect.gather [hbm4b:s7+s20], $0x80, s24, s20, $0xb8;
	[tilespmem:$0x1CC00] =	vst v63  }
0x99: {  	_ =	swait.ge [sflag:s22], $0x4000  }
0x9a: {  	[sflag:s22] =	ssyncset.done $0x0  }
0x9b: {  	s24 =	sadd.s32 $0x2800, s24;
	[sflag:s22] =	ssyncadd.s32 $0xFFFFC000  }
0x9c: {  	[spmem:s2] =	stream.indirect.scatter.add.f32 [tilespmem:s21], [sflag:$0x2], $0x80, s24, s20, $0xb8;
	[tilespmem:$0x1CC00] =	vst v63  }
0x9d: {  	_ =	swait.ge [sflag:s16], $0x4000  }
0x9e: {  	s23 =	sadd.s32 $0x1, s23;
	[sflag:s16] =	ssyncset.done $0x0  }
0x9f: {  	p0 =	sne.s32 s23, s15;
	[sflag:s16] =	ssyncadd.s32 $0xFFFFC000  }
.Ltmp4:
0xa0: {  	[bflag:$0x0] =	sbarrier.arrive $0xFFFF;
	(pc) =	sbr.rel @p0 .LBB2_1-.Ltmp4, $4  }
0xa1: {  	[hbm:s14], [sflag:s18] =	dma.local [spmem:s19], $0x2780  }
0xa2: {  	_ =	swait.ge [sflag:s16], $0x2780  }
0xa3: {  	[sflag:s16] =	ssyncset.done $0x0  }
0xa4: {  	[sflag:s16] =	ssyncadd.s32 $0xFFFFD880  }
0xa5: {  	_ =	sfence.sel $0x180000  }
0xa6: {  	[bflag:$0x0] =	sbarrier.arrive $0xFFFF  }
0xa7: {  	p0 =	sne.s32 s0, $0x0;
	_ =	strace $0x9000004A  }
0xa8: {  	s0 =	sadd.s32 @!p0 $0x100000, s1;
	[bflag:$0x2] =	sbarrier.arrive $0xFFFF  }
0xa9: {  	[sflag:s0] =	ssyncadd.tile.s32 @!p0 $0x1;
	_ =	shalt  }
.Lfunc_end2:
_tile_overlayer_lowered:
.L_overlay_start_2:
0xaa: {  	(tag) =	ssettag $0x2  }
0xab: {  	s0 =	rddreg [dreg:$0x0];
	s2 =	stileid.u32  }
0xac: {  	s1 =	rddreg [dreg:$0x1];
	p0 =	sne.s32 s2, $0x0  }
0xad: {  	s3 =	rddreg [dreg:$0x2];
	[bflag:$0x3] =	sbarrier.arrive $0xFFFF;
	s2 =	simm.s32 @!p0 $0x1C02  }
0xae: {  	[timem:s3], [sflag:s2] =	dma.local @!p0 [hbm:s0], s1  }
0xaf: {  	s0 =	simm.s32 @!p0 $0x2  }
0xb0: {  	_ =	swait.ge @!p0 [sflag:s0], s1  }
0xb1: {  	s1 =	ssub.s32 @!p0 $0x0, s1;
	[sflag:s0] =	ssyncset.done @!p0 $0x0  }
0xb2: {  	[sflag:s0] =	ssyncadd.s32 @!p0 s1  }
0xb3: {  	[bflag:$0x3] =	sbarrier.arrive $0xFFFF  }
0xb4: {  	_ =	shalt  }

</sc_bundles>
